<compile_context>
chip_gen: v7x
topology: tpu7x:2x2x1
jax: 0.10.2.dev20260603
libtpu: 0.0.44.dev20260713+nightly
codegen_flags: <defaults>
</compile_context>

<pallas_src>
import dataclasses

import jax
import jax.numpy as jnp
from jax import lax
from jax.experimental import pallas as pl
from jax.experimental.pallas import tpu as pltpu
from jax.experimental.pallas import tpu_sc as plsc

B, H, S, D = 8, 8, 8192, 128
K = max(1, min(S, int(S * (1.0 - 0.8))))
SBLK = 1024
LANES = 16
NCHUNK = S // LANES
NKC = (K + 15) // 16
KCQ = 26
IDX_PAD = NKC * LANES
GIW = KCQ * LANES * H


def _norms_body(keys_ref, out_ref):
    x = keys_ref[0].reshape(H * SBLK, D)
    x2t = lax.transpose(x * x, (1, 0))
    ss = jnp.sum(x2t, axis=0)
    nrm = jnp.sqrt(ss)
    acc = nrm[0:SBLK]
    for hh in range(1, H):
        acc = acc + nrm[hh * SBLK:(hh + 1) * SBLK]
    out_ref[0, 0] = acc * (1.0 / H)


def _norms(keys):
    out = pl.pallas_call(
        _norms_body,
        grid=(B, S // SBLK),
        in_specs=[pl.BlockSpec((1, H, SBLK, D), lambda b, s: (b, 0, s, 0))],
        out_specs=pl.BlockSpec((1, 1, SBLK), lambda b, s: (b, 0, s)),
        out_shape=jax.ShapeDtypeStruct((B, 1, S), jnp.float32),
    )(keys)
    return out


def _select_body(scores_ref, thr_ref, quota_ref):
    bits = lax.bitcast_convert_type(scores_ref[:, 0, :], jnp.int32)

    def body(_, carry):
        lo, hi = carry
        mid = lo + ((hi - lo + 1) >> 1)
        cnt = jnp.sum((bits >= mid).astype(jnp.int32), axis=1, keepdims=True)
        ge = cnt >= K
        return jnp.where(ge, mid, lo), jnp.where(ge, hi, mid - 1)

    lo0 = jnp.zeros((B, 1), jnp.int32)
    hi0 = jnp.full((B, 1), 0x7F800000, jnp.int32)
    lo, _ = lax.fori_loop(0, 31, body, (lo0, hi0))
    cnt_gt = jnp.sum((bits >= (lo + 1)).astype(jnp.int32), axis=1,
                     keepdims=True)
    quota = K - cnt_gt
    thr_ref[...] = jnp.broadcast_to(
        lax.bitcast_convert_type(lo, jnp.float32), (B, 128))
    quota_ref[...] = jnp.broadcast_to(quota, (B, 128))


def _select(scores):
    return pl.pallas_call(
        _select_body,
        grid=(1,),
        in_specs=[pl.BlockSpec((B, 1, S), lambda i: (0, 0, 0))],
        out_specs=(pl.BlockSpec((B, 128), lambda i: (0, 0)),
                   pl.BlockSpec((B, 128), lambda i: (0, 0))),
        out_shape=(jax.ShapeDtypeStruct((B, 128), jnp.float32),
                   jax.ShapeDtypeStruct((B, 128), jnp.int32)),
    )(scores)


def _sc_body(keys_hbm, values_hbm, scores_hbm, thr_hbm, quota_hbm,
             outk_hbm, outv_hbm,
             scores_v, thr_v, quota_v, idx_v, gidx_v, bufa_v, bufb_v,
             gsa, gsb, wsa, wsb):
    c = lax.axis_index("core")
    sub = lax.axis_index("subcore")
    wid = sub * 2 + c
    b = wid // 4
    q = wid % 4

    pltpu.sync_copy(scores_hbm.at[b, 0], scores_v)
    pltpu.sync_copy(thr_hbm.at[b, 0], thr_v)
    pltpu.sync_copy(quota_hbm.at[b, 0], quota_v)
    tvec = thr_v[pl.ds(0, LANES)]
    qvec = quota_v[pl.ds(0, LANES)]

    zsplat = jnp.zeros((LANES,), jnp.int32)
    iota16 = lax.iota(jnp.int32, LANES)

    def chunk_ge(ci, off):
        sv = scores_v[pl.ds(ci * LANES, LANES)]
        ge = sv >= tvec
        ge_i = jnp.where(ge, 1, 0).astype(jnp.int32)
        pos = jnp.minimum((off + plsc.cumsum(ge_i)) - 1, IDX_PAD - 1)
        plsc.store_scatter(idx_v, [pos], ci * LANES + iota16, mask=ge)
        return off + plsc.all_reduce_population_count(ge)

    total = lax.fori_loop(0, NCHUNK, chunk_ge, zsplat)

    @pl.when(jnp.max(total) > K)
    def _():
        def chunk(ci, carry):
            off, ecnt = carry
            sv = scores_v[pl.ds(ci * LANES, LANES)]
            gt = sv > tvec
            eq = sv == tvec
            eq_i = jnp.where(eq, 1, 0).astype(jnp.int32)
            eq_rank = (ecnt + plsc.cumsum(eq_i)) - eq_i
            keep = gt | (eq & (eq_rank < qvec))
            keep_i = jnp.where(keep, 1, 0).astype(jnp.int32)
            pos = (off + plsc.cumsum(keep_i)) - 1
            plsc.store_scatter(idx_v, [pos], ci * LANES + iota16, mask=keep)
            return (off + plsc.all_reduce_population_count(keep),
                    ecnt + plsc.all_reduce_population_count(eq))

        lax.fori_loop(0, NCHUNK, chunk, (zsplat, zsplat))

    c0 = q * KCQ
    c1 = jnp.minimum((q + 1) * KCQ, NKC)
    c1f = jnp.minimum(c1, NKC - 1)

    lanes = lax.iota(jnp.int32, LANES)
    base = b * (H * S)

    def bchunk(ci, _):
        lc = ci - c0
        iv = idx_v[pl.ds(ci * LANES, LANES)]
        valid = (ci * LANES + lanes) < K
        for hh in range(H):
            vals = iv + (base + hh * S)
            posv = (lc * LANES + lanes) * H + hh
            plsc.store_scatter(gidx_v, [posv], vals, mask=valid)
        return 0

    lax.fori_loop(c0, c1, bchunk, 0)

    for tbl, out in ((keys_hbm, outk_hbm), (values_hbm, outv_hbm)):
        npairs = (c1f - c0) // 2

        def gpair(i, _):
            ca = c0 + 2 * i
            la = 2 * i * 128
            sa = pl.ds(la, 128)
            sb = pl.ds(la + 128, 128)
            ga = pltpu.async_copy(tbl.at[gidx_v.at[sa]], bufa_v, gsa)
            gb = pltpu.async_copy(tbl.at[gidx_v.at[sb]], bufb_v, gsb)
            ga.wait()
            wa = pltpu.async_copy(bufa_v, out.at[b, pl.ds(ca * 128, 128)], wsa)
            gb.wait()
            wb = pltpu.async_copy(bufb_v, out.at[b, pl.ds(ca * 128 + 128, 128)],
                                  wsb)
            wa.wait()
            wb.wait()
            return 0

        lax.fori_loop(0, npairs, gpair, 0)

        @pl.when(c1 == NKC)
        def _():
            rem = (K - (NKC - 1) * LANES) * H
            lt = (NKC - 1 - c0) * 128
            g = pltpu.async_copy(tbl.at[gidx_v.at[pl.ds(lt, rem)]],
                                 bufa_v.at[pl.ds(0, rem)], gsa)
            g.wait()
            pltpu.sync_copy(bufa_v.at[pl.ds(0, rem)],
                            out.at[b, pl.ds((NKC - 1) * 128, rem)])


def _sc_gather(keys2, values2, scores, thr, quota):
    mesh = plsc.VectorSubcoreMesh(core_axis_name="core",
                                  subcore_axis_name="subcore")
    cp = pltpu.CompilerParams()
    if "needs_layout_passes" in pltpu.CompilerParams.__dataclass_fields__:
        cp = dataclasses.replace(cp, needs_layout_passes=False)
    kern = pl.kernel(
        _sc_body,
        compiler_params=cp,
        out_type=(jax.ShapeDtypeStruct((B, K * H, D), jnp.float32),
                  jax.ShapeDtypeStruct((B, K * H, D), jnp.float32)),
        mesh=mesh,
        scratch_types=[
            pltpu.VMEM((S,), jnp.float32),
            pltpu.VMEM((128,), jnp.float32),
            pltpu.VMEM((128,), jnp.int32),
            pltpu.VMEM((IDX_PAD,), jnp.int32),
            pltpu.VMEM((GIW,), jnp.int32),
            pltpu.VMEM((128, D), jnp.float32),
            pltpu.VMEM((128, D), jnp.float32),
            pltpu.SemaphoreType.DMA,
            pltpu.SemaphoreType.DMA,
            pltpu.SemaphoreType.DMA,
            pltpu.SemaphoreType.DMA,
        ],
    )
    return kern(keys2, values2, scores, thr, quota)


@jax.jit
def kernel(keys, values):
    scores3 = _norms(keys)
    thr, quota = _select(scores3)
    keys2 = keys.reshape(B * H * S, D)
    values2 = values.reshape(B * H * S, D)
    outk3, outv3 = _sc_gather(keys2, values2, scores3,
                              thr.reshape(B, 1, 128), quota.reshape(B, 1, 128))
    outk = outk3.reshape(B, K, H, D).transpose(0, 2, 1, 3)
    outv = outv3.reshape(B, K, H, D).transpose(0, 2, 1, 3)
    return outk, outv

# --- scband reference (transcript-rebuilt; emitter-appended) ---
"""Pipeline reference for scband-kvpress-compressor-78194174591479 (READ-ONLY COPY).

The authoritative reference and input builder live on the scoring server;
editing this copy changes nothing except your own understanding.
"""

import jax, jax.numpy as jnp
import numpy as np

COMPRESSION_RATIO = 0.8


def setup_inputs(seed: int = 0) -> dict:
    key = jax.random.key(seed)
    k1, k2 = jax.random.split(key)
    keys = jax.random.normal(k1, (8, 8, 8192, 128), dtype=jnp.float32)
    values = jax.random.normal(k2, (8, 8, 8192, 128), dtype=jnp.float32)
    return {"keys": keys, "values": values}


def reference(keys, values):
    # KVPressCompressor._compress_layer with method='knorm' for a single layer.
    # keys/values: [batch, num_kv_heads, seq_len, head_dim]
    B, H, S, D = keys.shape
    n_kept = int(S * (1.0 - COMPRESSION_RATIO))
    n_kept = max(n_kept, 1)
    n_kept = min(n_kept, S)
    # k_norms = keys.norm(dim=-1) -> [B, H, S]
    k_norms = jnp.linalg.norm(keys, axis=-1)
    # mean over heads -> [B, S]
    k_norms_mean = k_norms.mean(axis=1)
    # topk over seq dim, then sort indices ascending (torch .sort(dim=-1).values)
    _, idx = jax.lax.top_k(k_norms_mean, n_kept)  # [B, n_kept]
    idx = jnp.sort(idx, axis=-1)
    # expand indices like torch gather: [B, H, n_kept, D]
    idx_e = jnp.broadcast_to(idx[:, None, :, None], (B, H, n_kept, D))
    compressed_keys = jnp.take_along_axis(keys, idx_e, axis=2)
    compressed_values = jnp.take_along_axis(values, idx_e, axis=2)
    return (compressed_keys, compressed_values)

if __name__ == "__main__":
    import jax
    _d = setup_inputs()
    print(jax.jit(kernel)(*tuple(_d.values())))

</pallas_src>

<mosaic_0001>
#map = affine_map<(d0, d1) -> (0, 0)>
#map1 = affine_map<(d0, d1) -> (0, 0, 0)>
module attributes {stable_mosaic.version = 14 : i64} {
  func.func @_sc_body(%arg0: i32, %arg1: i32, %arg2: memref<524288x128xf32, #tpu.memory_space<hbm>>, %arg3: memref<524288x128xf32, #tpu.memory_space<hbm>>, %arg4: memref<8x1x8192xf32, #tpu.memory_space<hbm>>, %arg5: memref<8x1x128xf32, #tpu.memory_space<hbm>>, %arg6: memref<8x1x128xi32, #tpu.memory_space<hbm>>, %arg7: memref<8x13104x128xf32, #tpu.memory_space<hbm>>, %arg8: memref<8x13104x128xf32, #tpu.memory_space<hbm>>, %arg9: memref<8192xf32, #tpu.memory_space<vmem>>, %arg10: memref<128xf32, #tpu.memory_space<vmem>>, %arg11: memref<128xi32, #tpu.memory_space<vmem>>, %arg12: memref<1648xi32, #tpu.memory_space<vmem>>, %arg13: memref<3328xi32, #tpu.memory_space<vmem>>, %arg14: memref<128x128xf32, #tpu.memory_space<vmem>>, %arg15: memref<128x128xf32, #tpu.memory_space<vmem>>, %arg16: memref<!tpu.dma_semaphore, #tpu.memory_space<semaphore_mem>>, %arg17: memref<!tpu.dma_semaphore, #tpu.memory_space<semaphore_mem>>, %arg18: memref<!tpu.dma_semaphore, #tpu.memory_space<semaphore_mem>>, %arg19: memref<!tpu.dma_semaphore, #tpu.memory_space<semaphore_mem>>) attributes {dimension_semantics = [#tpu.dimension_semantics<core_parallel>, #tpu.dimension_semantics<subcore_parallel>], iteration_bounds = array<i64: 2, 16>, scalar_prefetch = 0 : i64, scratch_operands = 11 : i64, tpu.core_type = #tpu.core_type<sc_vector_subcore>, window_params = [{transform_indices = #map}, {transform_indices = #map}, {transform_indices = #map1}, {transform_indices = #map1}, {transform_indices = #map1}, {transform_indices = #map1}, {transform_indices = #map1}]} {
    %mul3A = arith.constant 2 : i32
    %mul3A_0 = arith.muli %arg1, %mul3A : i32
    %add3A = arith.addi %mul3A_0, %arg0 : i32
    %jit3A = arith.constant 4 : i32
    %div3A = arith.divsi %add3A, %jit3A : i32
    %sign3A = arith.constant 0 : i32
    %sign3A_1 = arith.cmpi sgt, %add3A, %sign3A : i32
    %sign3A_2 = arith.extui %sign3A_1 : i1 to i32
    %sign3A_3 = arith.constant 0 : i32
    %sign3A_4 = arith.cmpi slt, %add3A, %sign3A_3 : i32
    %sign3A_5 = arith.extui %sign3A_4 : i1 to i32
    %sign3A_6 = arith.subi %sign3A_2, %sign3A_5 : i32
    %sign3A_7 = arith.constant 0 : i32
    %sign3A_8 = arith.cmpi sgt, %jit3A, %sign3A_7 : i32
    %sign3A_9 = arith.extui %sign3A_8 : i1 to i32
    %sign3A_10 = arith.constant 0 : i32
    %sign3A_11 = arith.cmpi slt, %jit3A, %sign3A_10 : i32
    %sign3A_12 = arith.extui %sign3A_11 : i1 to i32
    %sign3A_13 = arith.subi %sign3A_9, %sign3A_12 : i32
    %ne3A = arith.cmpi ne, %sign3A_6, %sign3A_13 : i32
    %rem3A = arith.remsi %add3A, %jit3A : i32
    %ne3A_14 = arith.constant 0 : i32
    %ne3A_15 = arith.cmpi ne, %rem3A, %ne3A_14 : i32
    %and3A = arith.andi %ne3A, %ne3A_15 : i1
    %sub3A = arith.constant 1 : i32
    %sub3A_16 = arith.subi %div3A, %sub3A : i32
    %select_n3A = arith.select %and3A, %sub3A_16, %div3A : i32
    %jit3A_17 = arith.constant 4 : i32
    %eq3A = arith.constant 0 : i32
    %eq3A_18 = arith.cmpi eq, %jit3A_17, %eq3A : i32
    %jit3A_19 = arith.constant 1 : i32
    %select_n3A_20 = arith.select %eq3A_18, %jit3A_19, %jit3A_17 : i32
    %rem3A_21 = arith.remsi %add3A, %select_n3A_20 : i32
    %ne3A_22 = arith.constant 0 : i32
    %ne3A_23 = arith.cmpi ne, %rem3A_21, %ne3A_22 : i32
    %lt3A = arith.constant 0 : i32
    %lt3A_24 = arith.cmpi slt, %rem3A_21, %lt3A : i32
    %lt3A_25 = arith.constant 0 : i32
    %lt3A_26 = arith.cmpi slt, %select_n3A_20, %lt3A_25 : i32
    %ne3A_27 = arith.xori %lt3A_24, %lt3A_26 : i1
    %and3A_28 = arith.andi %ne3A_27, %ne3A_23 : i1
    %add3A_29 = arith.addi %rem3A_21, %select_n3A_20 : i32
    %select_n3A_30 = arith.select %and3A_28, %add3A_29, %rem3A_21 : i32
    %run_scoped3A = arith.constant 0 : i32
    "tpu.region"() ({
      %run_scoped3A_157 = tpu.sem_alloc : memref<!tpu.dma_semaphore, #tpu.memory_space<semaphore_mem>>
      %dma_start3A = arith.constant 0 : i32
      %dma_start3A_158 = tpu.memref_slice %arg4[%select_n3A, %run_scoped3A, %dma_start3A] : memref<8x1x8192xf32, #tpu.memory_space<hbm>> -> memref<1x1x8192xf32, #tpu.memory_space<hbm>>
      %dma_start3A_159 = tpu.memref_squeeze %dma_start3A_158 : memref<1x1x8192xf32, #tpu.memory_space<hbm>> -> memref<8192xf32, #tpu.memory_space<hbm>>
      %dma_start3A_160 = arith.constant 0 : i32
      %dma_start3A_161 = tpu.memref_slice %arg4[%select_n3A, %run_scoped3A, %dma_start3A_160] : memref<8x1x8192xf32, #tpu.memory_space<hbm>> -> memref<1x1x8192xf32, #tpu.memory_space<hbm>>
      %dma_start3A_162 = tpu.memref_squeeze %dma_start3A_161 : memref<1x1x8192xf32, #tpu.memory_space<hbm>> -> memref<8192xf32, #tpu.memory_space<hbm>>
      tpu.enqueue_dma source(%dma_start3A_162 : memref<8192xf32, #tpu.memory_space<hbm>>) target(%arg9 : memref<8192xf32, #tpu.memory_space<vmem>>) target_semaphore(%run_scoped3A_157 : memref<!tpu.dma_semaphore, #tpu.memory_space<semaphore_mem>>)
      %dma_wait3A = arith.constant 0 : i32
      %dma_wait3A_163 = tpu.memref_slice %arg4[%select_n3A, %run_scoped3A, %dma_wait3A] : memref<8x1x8192xf32, #tpu.memory_space<hbm>> -> memref<1x1x8192xf32, #tpu.memory_space<hbm>>
      %dma_wait3A_164 = tpu.memref_squeeze %dma_wait3A_163 : memref<1x1x8192xf32, #tpu.memory_space<hbm>> -> memref<8192xf32, #tpu.memory_space<hbm>>
      %dma_wait3A_165 = arith.constant 0 : i32
      %dma_wait3A_166 = tpu.memref_slice %arg4[%select_n3A, %run_scoped3A, %dma_wait3A_165] : memref<8x1x8192xf32, #tpu.memory_space<hbm>> -> memref<1x1x8192xf32, #tpu.memory_space<hbm>>
      %dma_wait3A_167 = tpu.memref_squeeze %dma_wait3A_166 : memref<1x1x8192xf32, #tpu.memory_space<hbm>> -> memref<8192xf32, #tpu.memory_space<hbm>>
      tpu.wait_dma2 semaphore(%run_scoped3A_157 : memref<!tpu.dma_semaphore, #tpu.memory_space<semaphore_mem>>) src(%dma_wait3A_167 : memref<8192xf32, #tpu.memory_space<hbm>>) dst(%arg9 : memref<8192xf32, #tpu.memory_space<vmem>>)
      tpu.yield
    }) : () -> ()
    %run_scoped3A_31 = arith.constant 0 : i32
    "tpu.region"() ({
      %run_scoped3A_157 = tpu.sem_alloc : memref<!tpu.dma_semaphore, #tpu.memory_space<semaphore_mem>>
      %dma_start3A = arith.constant 0 : i32
      %dma_start3A_158 = tpu.memref_slice %arg5[%select_n3A, %run_scoped3A_31, %dma_start3A] : memref<8x1x128xf32, #tpu.memory_space<hbm>> -> memref<1x1x128xf32, #tpu.memory_space<hbm>>
      %dma_start3A_159 = tpu.memref_squeeze %dma_start3A_158 : memref<1x1x128xf32, #tpu.memory_space<hbm>> -> memref<128xf32, #tpu.memory_space<hbm>>
      %dma_start3A_160 = arith.constant 0 : i32
      %dma_start3A_161 = tpu.memref_slice %arg5[%select_n3A, %run_scoped3A_31, %dma_start3A_160] : memref<8x1x128xf32, #tpu.memory_space<hbm>> -> memref<1x1x128xf32, #tpu.memory_space<hbm>>
      %dma_start3A_162 = tpu.memref_squeeze %dma_start3A_161 : memref<1x1x128xf32, #tpu.memory_space<hbm>> -> memref<128xf32, #tpu.memory_space<hbm>>
      tpu.enqueue_dma source(%dma_start3A_162 : memref<128xf32, #tpu.memory_space<hbm>>) target(%arg10 : memref<128xf32, #tpu.memory_space<vmem>>) target_semaphore(%run_scoped3A_157 : memref<!tpu.dma_semaphore, #tpu.memory_space<semaphore_mem>>)
      %dma_wait3A = arith.constant 0 : i32
      %dma_wait3A_163 = tpu.memref_slice %arg5[%select_n3A, %run_scoped3A_31, %dma_wait3A] : memref<8x1x128xf32, #tpu.memory_space<hbm>> -> memref<1x1x128xf32, #tpu.memory_space<hbm>>
      %dma_wait3A_164 = tpu.memref_squeeze %dma_wait3A_163 : memref<1x1x128xf32, #tpu.memory_space<hbm>> -> memref<128xf32, #tpu.memory_space<hbm>>
      %dma_wait3A_165 = arith.constant 0 : i32
      %dma_wait3A_166 = tpu.memref_slice %arg5[%select_n3A, %run_scoped3A_31, %dma_wait3A_165] : memref<8x1x128xf32, #tpu.memory_space<hbm>> -> memref<1x1x128xf32, #tpu.memory_space<hbm>>
      %dma_wait3A_167 = tpu.memref_squeeze %dma_wait3A_166 : memref<1x1x128xf32, #tpu.memory_space<hbm>> -> memref<128xf32, #tpu.memory_space<hbm>>
      tpu.wait_dma2 semaphore(%run_scoped3A_157 : memref<!tpu.dma_semaphore, #tpu.memory_space<semaphore_mem>>) src(%dma_wait3A_167 : memref<128xf32, #tpu.memory_space<hbm>>) dst(%arg10 : memref<128xf32, #tpu.memory_space<vmem>>)
      tpu.yield
    }) : () -> ()
    %run_scoped3A_32 = arith.constant 0 : i32
    "tpu.region"() ({
      %run_scoped3A_157 = tpu.sem_alloc : memref<!tpu.dma_semaphore, #tpu.memory_space<semaphore_mem>>
      %dma_start3A = arith.constant 0 : i32
      %dma_start3A_158 = tpu.memref_slice %arg6[%select_n3A, %run_scoped3A_32, %dma_start3A] : memref<8x1x128xi32, #tpu.memory_space<hbm>> -> memref<1x1x128xi32, #tpu.memory_space<hbm>>
      %dma_start3A_159 = tpu.memref_squeeze %dma_start3A_158 : memref<1x1x128xi32, #tpu.memory_space<hbm>> -> memref<128xi32, #tpu.memory_space<hbm>>
      %dma_start3A_160 = arith.constant 0 : i32
      %dma_start3A_161 = tpu.memref_slice %arg6[%select_n3A, %run_scoped3A_32, %dma_start3A_160] : memref<8x1x128xi32, #tpu.memory_space<hbm>> -> memref<1x1x128xi32, #tpu.memory_space<hbm>>
      %dma_start3A_162 = tpu.memref_squeeze %dma_start3A_161 : memref<1x1x128xi32, #tpu.memory_space<hbm>> -> memref<128xi32, #tpu.memory_space<hbm>>
      tpu.enqueue_dma source(%dma_start3A_162 : memref<128xi32, #tpu.memory_space<hbm>>) target(%arg11 : memref<128xi32, #tpu.memory_space<vmem>>) target_semaphore(%run_scoped3A_157 : memref<!tpu.dma_semaphore, #tpu.memory_space<semaphore_mem>>)
      %dma_wait3A = arith.constant 0 : i32
      %dma_wait3A_163 = tpu.memref_slice %arg6[%select_n3A, %run_scoped3A_32, %dma_wait3A] : memref<8x1x128xi32, #tpu.memory_space<hbm>> -> memref<1x1x128xi32, #tpu.memory_space<hbm>>
      %dma_wait3A_164 = tpu.memref_squeeze %dma_wait3A_163 : memref<1x1x128xi32, #tpu.memory_space<hbm>> -> memref<128xi32, #tpu.memory_space<hbm>>
      %dma_wait3A_165 = arith.constant 0 : i32
      %dma_wait3A_166 = tpu.memref_slice %arg6[%select_n3A, %run_scoped3A_32, %dma_wait3A_165] : memref<8x1x128xi32, #tpu.memory_space<hbm>> -> memref<1x1x128xi32, #tpu.memory_space<hbm>>
      %dma_wait3A_167 = tpu.memref_squeeze %dma_wait3A_166 : memref<1x1x128xi32, #tpu.memory_space<hbm>> -> memref<128xi32, #tpu.memory_space<hbm>>
      tpu.wait_dma2 semaphore(%run_scoped3A_157 : memref<!tpu.dma_semaphore, #tpu.memory_space<semaphore_mem>>) src(%dma_wait3A_167 : memref<128xi32, #tpu.memory_space<hbm>>) dst(%arg11 : memref<128xi32, #tpu.memory_space<vmem>>)
      tpu.yield
    }) : () -> ()
    %get3A = arith.constant 0 : index
    %get3A_33 = tpu.vector_load %arg10[%get3A] {strides = array<i32>} : memref<128xf32, #tpu.memory_space<vmem>>, vector<16xf32>,
    %get3A_34 = arith.constant 0 : index
    %get3A_35 = tpu.vector_load %arg11[%get3A_34] {strides = array<i32>} : memref<128xi32, #tpu.memory_space<vmem>>, vector<16xi32>,
    %broadcast_in_dim3A = arith.constant 0 : i32
    %broadcast_in_dim3A_36 = vector.broadcast %broadcast_in_dim3A : i32 to vector<16xi32>
    %iota3A = tpu.iota {dimensions = array<i32: 0>} : vector<16xi32>
    %scan3A = arith.constant 0 : i32
    %scan3A_37 = arith.constant 512 : i32
    %scan3A_38 = arith.addi %scan3A, %scan3A_37 : i32
    %scan3A_39 = arith.constant 1 : i32
    %scan3A_40 = scf.for %scan3A_157 = %scan3A to %scan3A_38 step %scan3A_39 iter_args(%scan3A_158 = %broadcast_in_dim3A_36) -> (vector<16xi32>)  : i32 {
      %mul3A_159 = arith.constant 16 : i32
      %mul3A_160 = arith.muli %scan3A_157, %mul3A_159 : i32
      %get3A_161 = arith.index_cast %mul3A_160 : i32 to index
      %get3A_162 = tpu.vector_load %arg9[%get3A_161] {strides = array<i32>} : memref<8192xf32, #tpu.memory_space<vmem>>, vector<16xf32>,
      %ge3A = arith.cmpf oge, %get3A_162, %get3A_33 : vector<16xf32>
      %jit3A_163 = arith.constant 1 : i32
      %jit3A_164 = arith.constant 0 : i32
      %broadcast_in_dim3A_165 = vector.broadcast %jit3A_163 : i32 to vector<16xi32>
      %broadcast_in_dim3A_166 = vector.broadcast %jit3A_164 : i32 to vector<16xi32>
      %select_n3A_167 = arith.select %ge3A, %broadcast_in_dim3A_165, %broadcast_in_dim3A_166 : vector<16xi1>, vector<16xi32>
      %broadcast_in_dim3A_168 = arith.constant true
      %broadcast_in_dim3A_169 = vector.broadcast %broadcast_in_dim3A_168 : i1 to vector<16xi1>
      %masked_cumsum3A = tpu.scan <sum>, %select_n3A_167 masked %broadcast_in_dim3A_169 : vector<16xi32>, vector<16xi1> -> vector<16xi32>
      %add3A_170 = arith.addi %scan3A_158, %masked_cumsum3A : vector<16xi32>
      %sub3A_171 = arith.constant 1 : i32
      %sub3A_172 = vector.broadcast %sub3A_171 : i32 to vector<16xi32>
      %sub3A_173 = arith.subi %add3A_170, %sub3A_172 : vector<16xi32>
      %min3A_174 = arith.constant 1647 : i32
      %min3A_175 = vector.broadcast %min3A_174 : i32 to vector<16xi32>
      %min3A_176 = arith.minsi %sub3A_173, %min3A_175 : vector<16xi32>
      %mul3A_177 = arith.constant 16 : i32
      %mul3A_178 = arith.muli %scan3A_157, %mul3A_177 : i32
      %add3A_179 = vector.broadcast %mul3A_178 : i32 to vector<16xi32>
      %add3A_180 = arith.addi %add3A_179, %iota3A : vector<16xi32>
      tpu.vector_store_idx %arg12[%min3A_176], %add3A_180 masked %ge3A : memref<1648xi32, #tpu.memory_space<vmem>>[vector<16xi32>], vector<16xi32>, vector<16xi1>
      %all_reduce_population_count3A = tpu.all_reduce %ge3A {dim = 0 : i64, kind = #tpu.reduction_kind<sum>} : vector<16xi1> -> vector<16xi32>
      %add3A_181 = arith.addi %scan3A_158, %all_reduce_population_count3A : vector<16xi32>
      scf.yield %add3A_181 : vector<16xi32>
    }
    %scan3A_41 = arith.constant 512 : i32
    %reduce_max3A = arith.constant true
    %reduce_max3A_42 = vector.broadcast %reduce_max3A : i1 to vector<16xi1>
    %reduce_max3A_43 = arith.constant -2147483648 : i32
    %reduce_max3A_44 = vector.broadcast %reduce_max3A_43 : i32 to vector<16xi32>
    %reduce_max3A_45 = arith.xori %scan3A_40, %reduce_max3A_44 : vector<16xi32>
    %reduce_max3A_46 = tpu.scan <max>, %reduce_max3A_45 masked %reduce_max3A_42 : vector<16xi32>, vector<16xi1> -> vector<16xi32>
    %reduce_max3A_47 = arith.xori %reduce_max3A_46, %reduce_max3A_44 : vector<16xi32>
    %reduce_max3A_48 = vector.extract %reduce_max3A_47[15] : i32 from vector<16xi32>
    %gt3A = arith.constant 1638 : i32
    %gt3A_49 = arith.cmpi sgt, %reduce_max3A_48, %gt3A : i32
    %convert_element_type3A = arith.extui %gt3A_49 : i1 to i32
    %cond3A = arith.constant 0 : i32
    %cond3A_50 = arith.cmpi ne, %convert_element_type3A, %cond3A : i32
    scf.if %cond3A_50 {
      %scan3A_157 = arith.constant 0 : i32
      %scan3A_158 = arith.constant 512 : i32
      %scan3A_159 = arith.addi %scan3A_157, %scan3A_158 : i32
      %scan3A_160 = arith.constant 1 : i32
      %scan3A_161:2 = scf.for %scan3A_163 = %scan3A_157 to %scan3A_159 step %scan3A_160 iter_args(%scan3A_164 = %broadcast_in_dim3A_36, %scan3A_165 = %broadcast_in_dim3A_36) -> (vector<16xi32>, vector<16xi32>)  : i32 {
        %mul3A_166 = arith.constant 16 : i32
        %mul3A_167 = arith.muli %scan3A_163, %mul3A_166 : i32
        %get3A_168 = arith.index_cast %mul3A_167 : i32 to index
        %get3A_169 = tpu.vector_load %arg9[%get3A_168] {strides = array<i32>} : memref<8192xf32, #tpu.memory_space<vmem>>, vector<16xf32>,
        %gt3A_170 = arith.cmpf ogt, %get3A_169, %get3A_33 : vector<16xf32>
        %eq3A_171 = arith.cmpf oeq, %get3A_169, %get3A_33 : vector<16xf32>
        %jit3A_172 = arith.constant 1 : i32
        %jit3A_173 = arith.constant 0 : i32
        %broadcast_in_dim3A_174 = vector.broadcast %jit3A_172 : i32 to vector<16xi32>
        %broadcast_in_dim3A_175 = vector.broadcast %jit3A_173 : i32 to vector<16xi32>
        %select_n3A_176 = arith.select %eq3A_171, %broadcast_in_dim3A_174, %broadcast_in_dim3A_175 : vector<16xi1>, vector<16xi32>
        %broadcast_in_dim3A_177 = arith.constant true
        %broadcast_in_dim3A_178 = vector.broadcast %broadcast_in_dim3A_177 : i1 to vector<16xi1>
        %masked_cumsum3A = tpu.scan <sum>, %select_n3A_176 masked %broadcast_in_dim3A_178 : vector<16xi32>, vector<16xi1> -> vector<16xi32>
        %add3A_179 = arith.addi %scan3A_165, %masked_cumsum3A : vector<16xi32>
        %sub3A_180 = arith.subi %add3A_179, %select_n3A_176 : vector<16xi32>
        %lt3A_181 = arith.cmpi slt, %sub3A_180, %get3A_35 : vector<16xi32>
        %and3A_182 = arith.andi %eq3A_171, %lt3A_181 : vector<16xi1>
        %or3A = arith.ori %gt3A_170, %and3A_182 : vector<16xi1>
        %jit3A_183 = arith.constant 1 : i32
        %jit3A_184 = arith.constant 0 : i32
        %broadcast_in_dim3A_185 = vector.broadcast %jit3A_183 : i32 to vector<16xi32>
        %broadcast_in_dim3A_186 = vector.broadcast %jit3A_184 : i32 to vector<16xi32>
        %select_n3A_187 = arith.select %or3A, %broadcast_in_dim3A_185, %broadcast_in_dim3A_186 : vector<16xi1>, vector<16xi32>
        %broadcast_in_dim3A_188 = arith.constant true
        %broadcast_in_dim3A_189 = vector.broadcast %broadcast_in_dim3A_188 : i1 to vector<16xi1>
        %masked_cumsum3A_190 = tpu.scan <sum>, %select_n3A_187 masked %broadcast_in_dim3A_189 : vector<16xi32>, vector<16xi1> -> vector<16xi32>
        %add3A_191 = arith.addi %scan3A_164, %masked_cumsum3A_190 : vector<16xi32>
        %sub3A_192 = arith.constant 1 : i32
        %sub3A_193 = vector.broadcast %sub3A_192 : i32 to vector<16xi32>
        %sub3A_194 = arith.subi %add3A_191, %sub3A_193 : vector<16xi32>
        %mul3A_195 = arith.constant 16 : i32
        %mul3A_196 = arith.muli %scan3A_163, %mul3A_195 : i32
        %add3A_197 = vector.broadcast %mul3A_196 : i32 to vector<16xi32>
        %add3A_198 = arith.addi %add3A_197, %iota3A : vector<16xi32>
        tpu.vector_store_idx %arg12[%sub3A_194], %add3A_198 masked %or3A : memref<1648xi32, #tpu.memory_space<vmem>>[vector<16xi32>], vector<16xi32>, vector<16xi1>
        %all_reduce_population_count3A = tpu.all_reduce %or3A {dim = 0 : i64, kind = #tpu.reduction_kind<sum>} : vector<16xi1> -> vector<16xi32>
        %add3A_199 = arith.addi %scan3A_164, %all_reduce_population_count3A : vector<16xi32>
        %all_reduce_population_count3A_200 = tpu.all_reduce %eq3A_171 {dim = 0 : i64, kind = #tpu.reduction_kind<sum>} : vector<16xi1> -> vector<16xi32>
        %add3A_201 = arith.addi %scan3A_165, %all_reduce_population_count3A_200 : vector<16xi32>
        scf.yield %add3A_199, %add3A_201 : vector<16xi32>, vector<16xi32>
      }
      %scan3A_162 = arith.constant 512 : i32
    } else {
    }
    %mul3A_51 = arith.constant 26 : i32
    %mul3A_52 = arith.muli %select_n3A_30, %mul3A_51 : i32
    %add3A_53 = arith.constant 1 : i32
    %add3A_54 = arith.addi %select_n3A_30, %add3A_53 : i32
    %mul3A_55 = arith.constant 26 : i32
    %mul3A_56 = arith.muli %add3A_54, %mul3A_55 : i32
    %min3A = arith.constant 103 : i32
    %min3A_57 = arith.minsi %mul3A_56, %min3A : i32
    %min3A_58 = arith.constant 102 : i32
    %min3A_59 = arith.minsi %min3A_57, %min3A_58 : i32
    %iota3A_60 = tpu.iota {dimensions = array<i32: 0>} : vector<16xi32>
    %mul3A_61 = arith.constant 65536 : i32
    %mul3A_62 = arith.muli %select_n3A, %mul3A_61 : i32
    %while3A = arith.constant 0 : i32
    %while3A_63 = arith.subi %min3A_57, %mul3A_52 : i32
    %while3A_64 = arith.addi %mul3A_52, %while3A_63 : i32
    %while3A_65 = arith.constant 1 : i32
    %while3A_66 = arith.divsi %while3A_63, %while3A_65 : i32
    %while3A_67 = arith.muli %while3A_66, %while3A_65 : i32
    %while3A_68 = arith.addi %mul3A_52, %while3A_67 : i32
    %while3A_69 = arith.constant 1 : i32
    %while3A_70 = scf.for %while3A_157 = %mul3A_52 to %while3A_68 step %while3A_69 iter_args(%while3A_158 = %while3A) -> (i32)  : i32 {
      %sub3A_159 = arith.subi %while3A_157, %mul3A_52 : i32
      %mul3A_160 = arith.constant 16 : i32
      %mul3A_161 = arith.muli %while3A_157, %mul3A_160 : i32
      %get3A_162 = arith.index_cast %mul3A_161 : i32 to index
      %get3A_163 = tpu.vector_load %arg12[%get3A_162] {strides = array<i32>} : memref<1648xi32, #tpu.memory_space<vmem>>, vector<16xi32>,
      %mul3A_164 = arith.constant 16 : i32
      %mul3A_165 = arith.muli %while3A_157, %mul3A_164 : i32
      %add3A_166 = vector.broadcast %mul3A_165 : i32 to vector<16xi32>
      %add3A_167 = arith.addi %add3A_166, %iota3A_60 : vector<16xi32>
      %lt3A_168 = arith.constant 1638 : i32
      %lt3A_169 = vector.broadcast %lt3A_168 : i32 to vector<16xi32>
      %lt3A_170 = arith.cmpi slt, %add3A_167, %lt3A_169 : vector<16xi32>
      %add3A_171 = arith.constant 0 : i32
      %add3A_172 = arith.addi %mul3A_62, %add3A_171 : i32
      %add3A_173 = vector.broadcast %add3A_172 : i32 to vector<16xi32>
      %add3A_174 = arith.addi %get3A_163, %add3A_173 : vector<16xi32>
      %mul3A_175 = arith.constant 16 : i32
      %mul3A_176 = arith.muli %sub3A_159, %mul3A_175 : i32
      %add3A_177 = vector.broadcast %mul3A_176 : i32 to vector<16xi32>
      %add3A_178 = arith.addi %add3A_177, %iota3A_60 : vector<16xi32>
      %mul3A_179 = arith.constant 8 : i32
      %mul3A_180 = vector.broadcast %mul3A_179 : i32 to vector<16xi32>
      %mul3A_181 = arith.muli %add3A_178, %mul3A_180 : vector<16xi32>
      %add3A_182 = arith.constant 0 : i32
      %add3A_183 = vector.broadcast %add3A_182 : i32 to vector<16xi32>
      %add3A_184 = arith.addi %mul3A_181, %add3A_183 : vector<16xi32>
      tpu.vector_store_idx %arg13[%add3A_184], %add3A_174 masked %lt3A_170 : memref<3328xi32, #tpu.memory_space<vmem>>[vector<16xi32>], vector<16xi32>, vector<16xi1>
      %add3A_185 = arith.constant 8192 : i32
      %add3A_186 = arith.addi %mul3A_62, %add3A_185 : i32
      %add3A_187 = vector.broadcast %add3A_186 : i32 to vector<16xi32>
      %add3A_188 = arith.addi %get3A_163, %add3A_187 : vector<16xi32>
      %mul3A_189 = arith.constant 16 : i32
      %mul3A_190 = arith.muli %sub3A_159, %mul3A_189 : i32
      %add3A_191 = vector.broadcast %mul3A_190 : i32 to vector<16xi32>
      %add3A_192 = arith.addi %add3A_191, %iota3A_60 : vector<16xi32>
      %mul3A_193 = arith.constant 8 : i32
      %mul3A_194 = vector.broadcast %mul3A_193 : i32 to vector<16xi32>
      %mul3A_195 = arith.muli %add3A_192, %mul3A_194 : vector<16xi32>
      %add3A_196 = arith.constant 1 : i32
      %add3A_197 = vector.broadcast %add3A_196 : i32 to vector<16xi32>
      %add3A_198 = arith.addi %mul3A_195, %add3A_197 : vector<16xi32>
      tpu.vector_store_idx %arg13[%add3A_198], %add3A_188 masked %lt3A_170 : memref<3328xi32, #tpu.memory_space<vmem>>[vector<16xi32>], vector<16xi32>, vector<16xi1>
      %add3A_199 = arith.constant 16384 : i32
      %add3A_200 = arith.addi %mul3A_62, %add3A_199 : i32
      %add3A_201 = vector.broadcast %add3A_200 : i32 to vector<16xi32>
      %add3A_202 = arith.addi %get3A_163, %add3A_201 : vector<16xi32>
      %mul3A_203 = arith.constant 16 : i32
      %mul3A_204 = arith.muli %sub3A_159, %mul3A_203 : i32
      %add3A_205 = vector.broadcast %mul3A_204 : i32 to vector<16xi32>
      %add3A_206 = arith.addi %add3A_205, %iota3A_60 : vector<16xi32>
      %mul3A_207 = arith.constant 8 : i32
      %mul3A_208 = vector.broadcast %mul3A_207 : i32 to vector<16xi32>
      %mul3A_209 = arith.muli %add3A_206, %mul3A_208 : vector<16xi32>
      %add3A_210 = arith.constant 2 : i32
      %add3A_211 = vector.broadcast %add3A_210 : i32 to vector<16xi32>
      %add3A_212 = arith.addi %mul3A_209, %add3A_211 : vector<16xi32>
      tpu.vector_store_idx %arg13[%add3A_212], %add3A_202 masked %lt3A_170 : memref<3328xi32, #tpu.memory_space<vmem>>[vector<16xi32>], vector<16xi32>, vector<16xi1>
      %add3A_213 = arith.constant 24576 : i32
      %add3A_214 = arith.addi %mul3A_62, %add3A_213 : i32
      %add3A_215 = vector.broadcast %add3A_214 : i32 to vector<16xi32>
      %add3A_216 = arith.addi %get3A_163, %add3A_215 : vector<16xi32>
      %mul3A_217 = arith.constant 16 : i32
      %mul3A_218 = arith.muli %sub3A_159, %mul3A_217 : i32
      %add3A_219 = vector.broadcast %mul3A_218 : i32 to vector<16xi32>
      %add3A_220 = arith.addi %add3A_219, %iota3A_60 : vector<16xi32>
      %mul3A_221 = arith.constant 8 : i32
      %mul3A_222 = vector.broadcast %mul3A_221 : i32 to vector<16xi32>
      %mul3A_223 = arith.muli %add3A_220, %mul3A_222 : vector<16xi32>
      %add3A_224 = arith.constant 3 : i32
      %add3A_225 = vector.broadcast %add3A_224 : i32 to vector<16xi32>
      %add3A_226 = arith.addi %mul3A_223, %add3A_225 : vector<16xi32>
      tpu.vector_store_idx %arg13[%add3A_226], %add3A_216 masked %lt3A_170 : memref<3328xi32, #tpu.memory_space<vmem>>[vector<16xi32>], vector<16xi32>, vector<16xi1>
      %add3A_227 = arith.constant 32768 : i32
      %add3A_228 = arith.addi %mul3A_62, %add3A_227 : i32
      %add3A_229 = vector.broadcast %add3A_228 : i32 to vector<16xi32>
      %add3A_230 = arith.addi %get3A_163, %add3A_229 : vector<16xi32>
      %mul3A_231 = arith.constant 16 : i32
      %mul3A_232 = arith.muli %sub3A_159, %mul3A_231 : i32
      %add3A_233 = vector.broadcast %mul3A_232 : i32 to vector<16xi32>
      %add3A_234 = arith.addi %add3A_233, %iota3A_60 : vector<16xi32>
      %mul3A_235 = arith.constant 8 : i32
      %mul3A_236 = vector.broadcast %mul3A_235 : i32 to vector<16xi32>
      %mul3A_237 = arith.muli %add3A_234, %mul3A_236 : vector<16xi32>
      %add3A_238 = arith.constant 4 : i32
      %add3A_239 = vector.broadcast %add3A_238 : i32 to vector<16xi32>
      %add3A_240 = arith.addi %mul3A_237, %add3A_239 : vector<16xi32>
      tpu.vector_store_idx %arg13[%add3A_240], %add3A_230 masked %lt3A_170 : memref<3328xi32, #tpu.memory_space<vmem>>[vector<16xi32>], vector<16xi32>, vector<16xi1>
      %add3A_241 = arith.constant 40960 : i32
      %add3A_242 = arith.addi %mul3A_62, %add3A_241 : i32
      %add3A_243 = vector.broadcast %add3A_242 : i32 to vector<16xi32>
      %add3A_244 = arith.addi %get3A_163, %add3A_243 : vector<16xi32>
      %mul3A_245 = arith.constant 16 : i32
      %mul3A_246 = arith.muli %sub3A_159, %mul3A_245 : i32
      %add3A_247 = vector.broadcast %mul3A_246 : i32 to vector<16xi32>
      %add3A_248 = arith.addi %add3A_247, %iota3A_60 : vector<16xi32>
      %mul3A_249 = arith.constant 8 : i32
      %mul3A_250 = vector.broadcast %mul3A_249 : i32 to vector<16xi32>
      %mul3A_251 = arith.muli %add3A_248, %mul3A_250 : vector<16xi32>
      %add3A_252 = arith.constant 5 : i32
      %add3A_253 = vector.broadcast %add3A_252 : i32 to vector<16xi32>
      %add3A_254 = arith.addi %mul3A_251, %add3A_253 : vector<16xi32>
      tpu.vector_store_idx %arg13[%add3A_254], %add3A_244 masked %lt3A_170 : memref<3328xi32, #tpu.memory_space<vmem>>[vector<16xi32>], vector<16xi32>, vector<16xi1>
      %add3A_255 = arith.constant 49152 : i32
      %add3A_256 = arith.addi %mul3A_62, %add3A_255 : i32
      %add3A_257 = vector.broadcast %add3A_256 : i32 to vector<16xi32>
      %add3A_258 = arith.addi %get3A_163, %add3A_257 : vector<16xi32>
      %mul3A_259 = arith.constant 16 : i32
      %mul3A_260 = arith.muli %sub3A_159, %mul3A_259 : i32
      %add3A_261 = vector.broadcast %mul3A_260 : i32 to vector<16xi32>
      %add3A_262 = arith.addi %add3A_261, %iota3A_60 : vector<16xi32>
      %mul3A_263 = arith.constant 8 : i32
      %mul3A_264 = vector.broadcast %mul3A_263 : i32 to vector<16xi32>
      %mul3A_265 = arith.muli %add3A_262, %mul3A_264 : vector<16xi32>
      %add3A_266 = arith.constant 6 : i32
      %add3A_267 = vector.broadcast %add3A_266 : i32 to vector<16xi32>
      %add3A_268 = arith.addi %mul3A_265, %add3A_267 : vector<16xi32>
      tpu.vector_store_idx %arg13[%add3A_268], %add3A_258 masked %lt3A_170 : memref<3328xi32, #tpu.memory_space<vmem>>[vector<16xi32>], vector<16xi32>, vector<16xi1>
      %add3A_269 = arith.constant 57344 : i32
      %add3A_270 = arith.addi %mul3A_62, %add3A_269 : i32
      %add3A_271 = vector.broadcast %add3A_270 : i32 to vector<16xi32>
      %add3A_272 = arith.addi %get3A_163, %add3A_271 : vector<16xi32>
      %mul3A_273 = arith.constant 16 : i32
      %mul3A_274 = arith.muli %sub3A_159, %mul3A_273 : i32
      %add3A_275 = vector.broadcast %mul3A_274 : i32 to vector<16xi32>
      %add3A_276 = arith.addi %add3A_275, %iota3A_60 : vector<16xi32>
      %mul3A_277 = arith.constant 8 : i32
      %mul3A_278 = vector.broadcast %mul3A_277 : i32 to vector<16xi32>
      %mul3A_279 = arith.muli %add3A_276, %mul3A_278 : vector<16xi32>
      %add3A_280 = arith.constant 7 : i32
      %add3A_281 = vector.broadcast %add3A_280 : i32 to vector<16xi32>
      %add3A_282 = arith.addi %mul3A_279, %add3A_281 : vector<16xi32>
      tpu.vector_store_idx %arg13[%add3A_282], %add3A_272 masked %lt3A_170 : memref<3328xi32, #tpu.memory_space<vmem>>[vector<16xi32>], vector<16xi32>, vector<16xi1>
      %while3A_283 = arith.constant 0 : i32
      scf.yield %while3A_283 : i32
    }
    %while3A_71 = arith.constant 1 : i32
    %while3A_72 = scf.for %while3A_157 = %while3A_68 to %while3A_64 step %while3A_71 iter_args(%while3A_158 = %while3A_70) -> (i32)  : i32 {
      %sub3A_159 = arith.subi %while3A_157, %mul3A_52 : i32
      %mul3A_160 = arith.constant 16 : i32
      %mul3A_161 = arith.muli %while3A_157, %mul3A_160 : i32
      %get3A_162 = arith.index_cast %mul3A_161 : i32 to index
      %get3A_163 = tpu.vector_load %arg12[%get3A_162] {strides = array<i32>} : memref<1648xi32, #tpu.memory_space<vmem>>, vector<16xi32>,
      %mul3A_164 = arith.constant 16 : i32
      %mul3A_165 = arith.muli %while3A_157, %mul3A_164 : i32
      %add3A_166 = vector.broadcast %mul3A_165 : i32 to vector<16xi32>
      %add3A_167 = arith.addi %add3A_166, %iota3A_60 : vector<16xi32>
      %lt3A_168 = arith.constant 1638 : i32
      %lt3A_169 = vector.broadcast %lt3A_168 : i32 to vector<16xi32>
      %lt3A_170 = arith.cmpi slt, %add3A_167, %lt3A_169 : vector<16xi32>
      %add3A_171 = arith.constant 0 : i32
      %add3A_172 = arith.addi %mul3A_62, %add3A_171 : i32
      %add3A_173 = vector.broadcast %add3A_172 : i32 to vector<16xi32>
      %add3A_174 = arith.addi %get3A_163, %add3A_173 : vector<16xi32>
      %mul3A_175 = arith.constant 16 : i32
      %mul3A_176 = arith.muli %sub3A_159, %mul3A_175 : i32
      %add3A_177 = vector.broadcast %mul3A_176 : i32 to vector<16xi32>
      %add3A_178 = arith.addi %add3A_177, %iota3A_60 : vector<16xi32>
      %mul3A_179 = arith.constant 8 : i32
      %mul3A_180 = vector.broadcast %mul3A_179 : i32 to vector<16xi32>
      %mul3A_181 = arith.muli %add3A_178, %mul3A_180 : vector<16xi32>
      %add3A_182 = arith.constant 0 : i32
      %add3A_183 = vector.broadcast %add3A_182 : i32 to vector<16xi32>
      %add3A_184 = arith.addi %mul3A_181, %add3A_183 : vector<16xi32>
      tpu.vector_store_idx %arg13[%add3A_184], %add3A_174 masked %lt3A_170 : memref<3328xi32, #tpu.memory_space<vmem>>[vector<16xi32>], vector<16xi32>, vector<16xi1>
      %add3A_185 = arith.constant 8192 : i32
      %add3A_186 = arith.addi %mul3A_62, %add3A_185 : i32
      %add3A_187 = vector.broadcast %add3A_186 : i32 to vector<16xi32>
      %add3A_188 = arith.addi %get3A_163, %add3A_187 : vector<16xi32>
      %mul3A_189 = arith.constant 16 : i32
      %mul3A_190 = arith.muli %sub3A_159, %mul3A_189 : i32
      %add3A_191 = vector.broadcast %mul3A_190 : i32 to vector<16xi32>
      %add3A_192 = arith.addi %add3A_191, %iota3A_60 : vector<16xi32>
      %mul3A_193 = arith.constant 8 : i32
      %mul3A_194 = vector.broadcast %mul3A_193 : i32 to vector<16xi32>
      %mul3A_195 = arith.muli %add3A_192, %mul3A_194 : vector<16xi32>
      %add3A_196 = arith.constant 1 : i32
      %add3A_197 = vector.broadcast %add3A_196 : i32 to vector<16xi32>
      %add3A_198 = arith.addi %mul3A_195, %add3A_197 : vector<16xi32>
      tpu.vector_store_idx %arg13[%add3A_198], %add3A_188 masked %lt3A_170 : memref<3328xi32, #tpu.memory_space<vmem>>[vector<16xi32>], vector<16xi32>, vector<16xi1>
      %add3A_199 = arith.constant 16384 : i32
      %add3A_200 = arith.addi %mul3A_62, %add3A_199 : i32
      %add3A_201 = vector.broadcast %add3A_200 : i32 to vector<16xi32>
      %add3A_202 = arith.addi %get3A_163, %add3A_201 : vector<16xi32>
      %mul3A_203 = arith.constant 16 : i32
      %mul3A_204 = arith.muli %sub3A_159, %mul3A_203 : i32
      %add3A_205 = vector.broadcast %mul3A_204 : i32 to vector<16xi32>
      %add3A_206 = arith.addi %add3A_205, %iota3A_60 : vector<16xi32>
      %mul3A_207 = arith.constant 8 : i32
      %mul3A_208 = vector.broadcast %mul3A_207 : i32 to vector<16xi32>
      %mul3A_209 = arith.muli %add3A_206, %mul3A_208 : vector<16xi32>
      %add3A_210 = arith.constant 2 : i32
      %add3A_211 = vector.broadcast %add3A_210 : i32 to vector<16xi32>
      %add3A_212 = arith.addi %mul3A_209, %add3A_211 : vector<16xi32>
      tpu.vector_store_idx %arg13[%add3A_212], %add3A_202 masked %lt3A_170 : memref<3328xi32, #tpu.memory_space<vmem>>[vector<16xi32>], vector<16xi32>, vector<16xi1>
      %add3A_213 = arith.constant 24576 : i32
      %add3A_214 = arith.addi %mul3A_62, %add3A_213 : i32
      %add3A_215 = vector.broadcast %add3A_214 : i32 to vector<16xi32>
      %add3A_216 = arith.addi %get3A_163, %add3A_215 : vector<16xi32>
      %mul3A_217 = arith.constant 16 : i32
      %mul3A_218 = arith.muli %sub3A_159, %mul3A_217 : i32
      %add3A_219 = vector.broadcast %mul3A_218 : i32 to vector<16xi32>
      %add3A_220 = arith.addi %add3A_219, %iota3A_60 : vector<16xi32>
      %mul3A_221 = arith.constant 8 : i32
      %mul3A_222 = vector.broadcast %mul3A_221 : i32 to vector<16xi32>
      %mul3A_223 = arith.muli %add3A_220, %mul3A_222 : vector<16xi32>
      %add3A_224 = arith.constant 3 : i32
      %add3A_225 = vector.broadcast %add3A_224 : i32 to vector<16xi32>
      %add3A_226 = arith.addi %mul3A_223, %add3A_225 : vector<16xi32>
      tpu.vector_store_idx %arg13[%add3A_226], %add3A_216 masked %lt3A_170 : memref<3328xi32, #tpu.memory_space<vmem>>[vector<16xi32>], vector<16xi32>, vector<16xi1>
      %add3A_227 = arith.constant 32768 : i32
      %add3A_228 = arith.addi %mul3A_62, %add3A_227 : i32
      %add3A_229 = vector.broadcast %add3A_228 : i32 to vector<16xi32>
      %add3A_230 = arith.addi %get3A_163, %add3A_229 : vector<16xi32>
      %mul3A_231 = arith.constant 16 : i32
      %mul3A_232 = arith.muli %sub3A_159, %mul3A_231 : i32
      %add3A_233 = vector.broadcast %mul3A_232 : i32 to vector<16xi32>
      %add3A_234 = arith.addi %add3A_233, %iota3A_60 : vector<16xi32>
      %mul3A_235 = arith.constant 8 : i32
      %mul3A_236 = vector.broadcast %mul3A_235 : i32 to vector<16xi32>
      %mul3A_237 = arith.muli %add3A_234, %mul3A_236 : vector<16xi32>
      %add3A_238 = arith.constant 4 : i32
      %add3A_239 = vector.broadcast %add3A_238 : i32 to vector<16xi32>
      %add3A_240 = arith.addi %mul3A_237, %add3A_239 : vector<16xi32>
      tpu.vector_store_idx %arg13[%add3A_240], %add3A_230 masked %lt3A_170 : memref<3328xi32, #tpu.memory_space<vmem>>[vector<16xi32>], vector<16xi32>, vector<16xi1>
      %add3A_241 = arith.constant 40960 : i32
      %add3A_242 = arith.addi %mul3A_62, %add3A_241 : i32
      %add3A_243 = vector.broadcast %add3A_242 : i32 to vector<16xi32>
      %add3A_244 = arith.addi %get3A_163, %add3A_243 : vector<16xi32>
      %mul3A_245 = arith.constant 16 : i32
      %mul3A_246 = arith.muli %sub3A_159, %mul3A_245 : i32
      %add3A_247 = vector.broadcast %mul3A_246 : i32 to vector<16xi32>
      %add3A_248 = arith.addi %add3A_247, %iota3A_60 : vector<16xi32>
      %mul3A_249 = arith.constant 8 : i32
      %mul3A_250 = vector.broadcast %mul3A_249 : i32 to vector<16xi32>
      %mul3A_251 = arith.muli %add3A_248, %mul3A_250 : vector<16xi32>
      %add3A_252 = arith.constant 5 : i32
      %add3A_253 = vector.broadcast %add3A_252 : i32 to vector<16xi32>
      %add3A_254 = arith.addi %mul3A_251, %add3A_253 : vector<16xi32>
      tpu.vector_store_idx %arg13[%add3A_254], %add3A_244 masked %lt3A_170 : memref<3328xi32, #tpu.memory_space<vmem>>[vector<16xi32>], vector<16xi32>, vector<16xi1>
      %add3A_255 = arith.constant 49152 : i32
      %add3A_256 = arith.addi %mul3A_62, %add3A_255 : i32
      %add3A_257 = vector.broadcast %add3A_256 : i32 to vector<16xi32>
      %add3A_258 = arith.addi %get3A_163, %add3A_257 : vector<16xi32>
      %mul3A_259 = arith.constant 16 : i32
      %mul3A_260 = arith.muli %sub3A_159, %mul3A_259 : i32
      %add3A_261 = vector.broadcast %mul3A_260 : i32 to vector<16xi32>
      %add3A_262 = arith.addi %add3A_261, %iota3A_60 : vector<16xi32>
      %mul3A_263 = arith.constant 8 : i32
      %mul3A_264 = vector.broadcast %mul3A_263 : i32 to vector<16xi32>
      %mul3A_265 = arith.muli %add3A_262, %mul3A_264 : vector<16xi32>
      %add3A_266 = arith.constant 6 : i32
      %add3A_267 = vector.broadcast %add3A_266 : i32 to vector<16xi32>
      %add3A_268 = arith.addi %mul3A_265, %add3A_267 : vector<16xi32>
      tpu.vector_store_idx %arg13[%add3A_268], %add3A_258 masked %lt3A_170 : memref<3328xi32, #tpu.memory_space<vmem>>[vector<16xi32>], vector<16xi32>, vector<16xi1>
      %add3A_269 = arith.constant 57344 : i32
      %add3A_270 = arith.addi %mul3A_62, %add3A_269 : i32
      %add3A_271 = vector.broadcast %add3A_270 : i32 to vector<16xi32>
      %add3A_272 = arith.addi %get3A_163, %add3A_271 : vector<16xi32>
      %mul3A_273 = arith.constant 16 : i32
      %mul3A_274 = arith.muli %sub3A_159, %mul3A_273 : i32
      %add3A_275 = vector.broadcast %mul3A_274 : i32 to vector<16xi32>
      %add3A_276 = arith.addi %add3A_275, %iota3A_60 : vector<16xi32>
      %mul3A_277 = arith.constant 8 : i32
      %mul3A_278 = vector.broadcast %mul3A_277 : i32 to vector<16xi32>
      %mul3A_279 = arith.muli %add3A_276, %mul3A_278 : vector<16xi32>
      %add3A_280 = arith.constant 7 : i32
      %add3A_281 = vector.broadcast %add3A_280 : i32 to vector<16xi32>
      %add3A_282 = arith.addi %mul3A_279, %add3A_281 : vector<16xi32>
      tpu.vector_store_idx %arg13[%add3A_282], %add3A_272 masked %lt3A_170 : memref<3328xi32, #tpu.memory_space<vmem>>[vector<16xi32>], vector<16xi32>, vector<16xi1>
      %while3A_283 = arith.constant 0 : i32
      scf.yield %while3A_283 : i32
    }
    %sub3A_73 = arith.subi %min3A_59, %mul3A_52 : i32
    %jit3A_74 = arith.constant 2 : i32
    %div3A_75 = arith.divsi %sub3A_73, %jit3A_74 : i32
    %sign3A_76 = arith.constant 0 : i32
    %sign3A_77 = arith.cmpi sgt, %sub3A_73, %sign3A_76 : i32
    %sign3A_78 = arith.extui %sign3A_77 : i1 to i32
    %sign3A_79 = arith.constant 0 : i32
    %sign3A_80 = arith.cmpi slt, %sub3A_73, %sign3A_79 : i32
    %sign3A_81 = arith.extui %sign3A_80 : i1 to i32
    %sign3A_82 = arith.subi %sign3A_78, %sign3A_81 : i32
    %sign3A_83 = arith.constant 0 : i32
    %sign3A_84 = arith.cmpi sgt, %jit3A_74, %sign3A_83 : i32
    %sign3A_85 = arith.extui %sign3A_84 : i1 to i32
    %sign3A_86 = arith.constant 0 : i32
    %sign3A_87 = arith.cmpi slt, %jit3A_74, %sign3A_86 : i32
    %sign3A_88 = arith.extui %sign3A_87 : i1 to i32
    %sign3A_89 = arith.subi %sign3A_85, %sign3A_88 : i32
    %ne3A_90 = arith.cmpi ne, %sign3A_82, %sign3A_89 : i32
    %rem3A_91 = arith.remsi %sub3A_73, %jit3A_74 : i32
    %ne3A_92 = arith.constant 0 : i32
    %ne3A_93 = arith.cmpi ne, %rem3A_91, %ne3A_92 : i32
    %and3A_94 = arith.andi %ne3A_90, %ne3A_93 : i1
    %sub3A_95 = arith.constant 1 : i32
    %sub3A_96 = arith.subi %div3A_75, %sub3A_95 : i32
    %select_n3A_97 = arith.select %and3A_94, %sub3A_96, %div3A_75 : i32
    %while3A_98 = arith.constant 0 : i32
    %while3A_99 = arith.constant 0 : i32
    %while3A_100 = arith.subi %select_n3A_97, %while3A_98 : i32
    %while3A_101 = arith.addi %while3A_98, %while3A_100 : i32
    %while3A_102 = arith.constant 1 : i32
    %while3A_103 = arith.divsi %while3A_100, %while3A_102 : i32
    %while3A_104 = arith.muli %while3A_103, %while3A_102 : i32
    %while3A_105 = arith.addi %while3A_98, %while3A_104 : i32
    %while3A_106 = arith.constant 1 : i32
    %while3A_107 = scf.for %while3A_157 = %while3A_98 to %while3A_105 step %while3A_106 iter_args(%while3A_158 = %while3A_99) -> (i32)  : i32 {
      %mul3A_159 = arith.constant 2 : i32
      %mul3A_160 = arith.muli %mul3A_159, %while3A_157 : i32
      %add3A_161 = arith.addi %mul3A_52, %mul3A_160 : i32
      %mul3A_162 = arith.constant 2 : i32
      %mul3A_163 = arith.muli %mul3A_162, %while3A_157 : i32
      %mul3A_164 = arith.constant 128 : i32
      %mul3A_165 = arith.muli %mul3A_163, %mul3A_164 : i32
      %add3A_166 = arith.constant 128 : i32
      %add3A_167 = arith.addi %mul3A_165, %add3A_166 : i32
      %dma_start3A = tpu.memref_slice %arg13[%mul3A_165] : memref<3328xi32, #tpu.memory_space<vmem>> -> memref<128xi32, #tpu.memory_space<vmem>>
      %dma_start3A_168 = arith.constant 0 : i32
      %dma_start3A_169 = arith.constant 0 : i32
      %dma_start3A_170 = tpu.memref_slice %arg2[%dma_start3A_168, %dma_start3A_169] : memref<524288x128xf32, #tpu.memory_space<hbm>> -> memref<524288x128xf32, #tpu.memory_space<hbm>>
      tpu.enqueue_indirect_dma source(%dma_start3A_170 : memref<524288x128xf32, #tpu.memory_space<hbm>>) target(%arg14 : memref<128x128xf32, #tpu.memory_space<vmem>>) offsets(%dma_start3A : memref<128xi32, #tpu.memory_space<vmem>>) semaphore(%arg16 : memref<!tpu.dma_semaphore, #tpu.memory_space<semaphore_mem>>)
      %dma_start3A_171 = tpu.memref_slice %arg13[%add3A_167] : memref<3328xi32, #tpu.memory_space<vmem>> -> memref<128xi32, #tpu.memory_space<vmem>>
      %dma_start3A_172 = arith.constant 0 : i32
      %dma_start3A_173 = arith.constant 0 : i32
      %dma_start3A_174 = tpu.memref_slice %arg2[%dma_start3A_172, %dma_start3A_173] : memref<524288x128xf32, #tpu.memory_space<hbm>> -> memref<524288x128xf32, #tpu.memory_space<hbm>>
      tpu.enqueue_indirect_dma source(%dma_start3A_174 : memref<524288x128xf32, #tpu.memory_space<hbm>>) target(%arg15 : memref<128x128xf32, #tpu.memory_space<vmem>>) offsets(%dma_start3A_171 : memref<128xi32, #tpu.memory_space<vmem>>) semaphore(%arg17 : memref<!tpu.dma_semaphore, #tpu.memory_space<semaphore_mem>>)
      %dma_wait3A = tpu.memref_slice %arg13[%mul3A_165] : memref<3328xi32, #tpu.memory_space<vmem>> -> memref<128xi32, #tpu.memory_space<vmem>>
      %dma_wait3A_175 = arith.constant 0 : i32
      %dma_wait3A_176 = arith.constant 0 : i32
      %dma_wait3A_177 = tpu.memref_slice %arg2[%dma_wait3A_175, %dma_wait3A_176] : memref<524288x128xf32, #tpu.memory_space<hbm>> -> memref<524288x128xf32, #tpu.memory_space<hbm>>
      tpu.wait_indirect_dma semaphore(%arg16 : memref<!tpu.dma_semaphore, #tpu.memory_space<semaphore_mem>>) src(%dma_wait3A_177 : memref<524288x128xf32, #tpu.memory_space<hbm>>) dst(%arg14 : memref<128x128xf32, #tpu.memory_space<vmem>>)
      %mul3A_178 = arith.constant 128 : i32
      %mul3A_179 = arith.muli %add3A_161, %mul3A_178 : i32
      %dma_start3A_180 = arith.constant 0 : i32
      %dma_start3A_181 = tpu.memref_slice %arg7[%select_n3A, %mul3A_179, %dma_start3A_180] : memref<8x13104x128xf32, #tpu.memory_space<hbm>> -> memref<1x128x128xf32, #tpu.memory_space<hbm>>
      %dma_start3A_182 = tpu.memref_squeeze %dma_start3A_181 : memref<1x128x128xf32, #tpu.memory_space<hbm>> -> memref<128x128xf32, #tpu.memory_space<hbm>>
      %dma_start3A_183 = arith.constant 0 : i32
      %dma_start3A_184 = tpu.memref_slice %arg7[%select_n3A, %mul3A_179, %dma_start3A_183] : memref<8x13104x128xf32, #tpu.memory_space<hbm>> -> memref<1x128x128xf32, #tpu.memory_space<hbm>>
      %dma_start3A_185 = tpu.memref_squeeze %dma_start3A_184 : memref<1x128x128xf32, #tpu.memory_space<hbm>> -> memref<128x128xf32, #tpu.memory_space<hbm>>
      tpu.enqueue_dma source(%arg14 : memref<128x128xf32, #tpu.memory_space<vmem>>) target(%dma_start3A_185 : memref<128x128xf32, #tpu.memory_space<hbm>>) target_semaphore(%arg18 : memref<!tpu.dma_semaphore, #tpu.memory_space<semaphore_mem>>)
      %dma_wait3A_186 = tpu.memref_slice %arg13[%add3A_167] : memref<3328xi32, #tpu.memory_space<vmem>> -> memref<128xi32, #tpu.memory_space<vmem>>
      %dma_wait3A_187 = arith.constant 0 : i32
      %dma_wait3A_188 = arith.constant 0 : i32
      %dma_wait3A_189 = tpu.memref_slice %arg2[%dma_wait3A_187, %dma_wait3A_188] : memref<524288x128xf32, #tpu.memory_space<hbm>> -> memref<524288x128xf32, #tpu.memory_space<hbm>>
      tpu.wait_indirect_dma semaphore(%arg17 : memref<!tpu.dma_semaphore, #tpu.memory_space<semaphore_mem>>) src(%dma_wait3A_189 : memref<524288x128xf32, #tpu.memory_space<hbm>>) dst(%arg15 : memref<128x128xf32, #tpu.memory_space<vmem>>)
      %mul3A_190 = arith.constant 128 : i32
      %mul3A_191 = arith.muli %add3A_161, %mul3A_190 : i32
      %add3A_192 = arith.constant 128 : i32
      %add3A_193 = arith.addi %mul3A_191, %add3A_192 : i32
      %dma_start3A_194 = arith.constant 0 : i32
      %dma_start3A_195 = tpu.memref_slice %arg7[%select_n3A, %add3A_193, %dma_start3A_194] : memref<8x13104x128xf32, #tpu.memory_space<hbm>> -> memref<1x128x128xf32, #tpu.memory_space<hbm>>
      %dma_start3A_196 = tpu.memref_squeeze %dma_start3A_195 : memref<1x128x128xf32, #tpu.memory_space<hbm>> -> memref<128x128xf32, #tpu.memory_space<hbm>>
      %dma_start3A_197 = arith.constant 0 : i32
      %dma_start3A_198 = tpu.memref_slice %arg7[%select_n3A, %add3A_193, %dma_start3A_197] : memref<8x13104x128xf32, #tpu.memory_space<hbm>> -> memref<1x128x128xf32, #tpu.memory_space<hbm>>
      %dma_start3A_199 = tpu.memref_squeeze %dma_start3A_198 : memref<1x128x128xf32, #tpu.memory_space<hbm>> -> memref<128x128xf32, #tpu.memory_space<hbm>>
      tpu.enqueue_dma source(%arg15 : memref<128x128xf32, #tpu.memory_space<vmem>>) target(%dma_start3A_199 : memref<128x128xf32, #tpu.memory_space<hbm>>) target_semaphore(%arg19 : memref<!tpu.dma_semaphore, #tpu.memory_space<semaphore_mem>>)
      %dma_wait3A_200 = arith.constant 0 : i32
      %dma_wait3A_201 = tpu.memref_slice %arg7[%select_n3A, %mul3A_179, %dma_wait3A_200] : memref<8x13104x128xf32, #tpu.memory_space<hbm>> -> memref<1x128x128xf32, #tpu.memory_space<hbm>>
      %dma_wait3A_202 = tpu.memref_squeeze %dma_wait3A_201 : memref<1x128x128xf32, #tpu.memory_space<hbm>> -> memref<128x128xf32, #tpu.memory_space<hbm>>
      %dma_wait3A_203 = arith.constant 0 : i32
      %dma_wait3A_204 = tpu.memref_slice %arg7[%select_n3A, %mul3A_179, %dma_wait3A_203] : memref<8x13104x128xf32, #tpu.memory_space<hbm>> -> memref<1x128x128xf32, #tpu.memory_space<hbm>>
      %dma_wait3A_205 = tpu.memref_squeeze %dma_wait3A_204 : memref<1x128x128xf32, #tpu.memory_space<hbm>> -> memref<128x128xf32, #tpu.memory_space<hbm>>
      tpu.wait_dma2 semaphore(%arg18 : memref<!tpu.dma_semaphore, #tpu.memory_space<semaphore_mem>>) src(%arg14 : memref<128x128xf32, #tpu.memory_space<vmem>>) dst(%dma_wait3A_205 : memref<128x128xf32, #tpu.memory_space<hbm>>)
      %dma_wait3A_206 = arith.constant 0 : i32
      %dma_wait3A_207 = tpu.memref_slice %arg7[%select_n3A, %add3A_193, %dma_wait3A_206] : memref<8x13104x128xf32, #tpu.memory_space<hbm>> -> memref<1x128x128xf32, #tpu.memory_space<hbm>>
      %dma_wait3A_208 = tpu.memref_squeeze %dma_wait3A_207 : memref<1x128x128xf32, #tpu.memory_space<hbm>> -> memref<128x128xf32, #tpu.memory_space<hbm>>
      %dma_wait3A_209 = arith.constant 0 : i32
      %dma_wait3A_210 = tpu.memref_slice %arg7[%select_n3A, %add3A_193, %dma_wait3A_209] : memref<8x13104x128xf32, #tpu.memory_space<hbm>> -> memref<1x128x128xf32, #tpu.memory_space<hbm>>
      %dma_wait3A_211 = tpu.memref_squeeze %dma_wait3A_210 : memref<1x128x128xf32, #tpu.memory_space<hbm>> -> memref<128x128xf32, #tpu.memory_space<hbm>>
      tpu.wait_dma2 semaphore(%arg19 : memref<!tpu.dma_semaphore, #tpu.memory_space<semaphore_mem>>) src(%arg15 : memref<128x128xf32, #tpu.memory_space<vmem>>) dst(%dma_wait3A_211 : memref<128x128xf32, #tpu.memory_space<hbm>>)
      %while3A_212 = arith.constant 0 : i32
      scf.yield %while3A_212 : i32
    }
    %while3A_108 = arith.constant 1 : i32
    %while3A_109 = scf.for %while3A_157 = %while3A_105 to %while3A_101 step %while3A_108 iter_args(%while3A_158 = %while3A_107) -> (i32)  : i32 {
      %mul3A_159 = arith.constant 2 : i32
      %mul3A_160 = arith.muli %mul3A_159, %while3A_157 : i32
      %add3A_161 = arith.addi %mul3A_52, %mul3A_160 : i32
      %mul3A_162 = arith.constant 2 : i32
      %mul3A_163 = arith.muli %mul3A_162, %while3A_157 : i32
      %mul3A_164 = arith.constant 128 : i32
      %mul3A_165 = arith.muli %mul3A_163, %mul3A_164 : i32
      %add3A_166 = arith.constant 128 : i32
      %add3A_167 = arith.addi %mul3A_165, %add3A_166 : i32
      %dma_start3A = tpu.memref_slice %arg13[%mul3A_165] : memref<3328xi32, #tpu.memory_space<vmem>> -> memref<128xi32, #tpu.memory_space<vmem>>
      %dma_start3A_168 = arith.constant 0 : i32
      %dma_start3A_169 = arith.constant 0 : i32
      %dma_start3A_170 = tpu.memref_slice %arg2[%dma_start3A_168, %dma_start3A_169] : memref<524288x128xf32, #tpu.memory_space<hbm>> -> memref<524288x128xf32, #tpu.memory_space<hbm>>
      tpu.enqueue_indirect_dma source(%dma_start3A_170 : memref<524288x128xf32, #tpu.memory_space<hbm>>) target(%arg14 : memref<128x128xf32, #tpu.memory_space<vmem>>) offsets(%dma_start3A : memref<128xi32, #tpu.memory_space<vmem>>) semaphore(%arg16 : memref<!tpu.dma_semaphore, #tpu.memory_space<semaphore_mem>>)
      %dma_start3A_171 = tpu.memref_slice %arg13[%add3A_167] : memref<3328xi32, #tpu.memory_space<vmem>> -> memref<128xi32, #tpu.memory_space<vmem>>
      %dma_start3A_172 = arith.constant 0 : i32
      %dma_start3A_173 = arith.constant 0 : i32
      %dma_start3A_174 = tpu.memref_slice %arg2[%dma_start3A_172, %dma_start3A_173] : memref<524288x128xf32, #tpu.memory_space<hbm>> -> memref<524288x128xf32, #tpu.memory_space<hbm>>
      tpu.enqueue_indirect_dma source(%dma_start3A_174 : memref<524288x128xf32, #tpu.memory_space<hbm>>) target(%arg15 : memref<128x128xf32, #tpu.memory_space<vmem>>) offsets(%dma_start3A_171 : memref<128xi32, #tpu.memory_space<vmem>>) semaphore(%arg17 : memref<!tpu.dma_semaphore, #tpu.memory_space<semaphore_mem>>)
      %dma_wait3A = tpu.memref_slice %arg13[%mul3A_165] : memref<3328xi32, #tpu.memory_space<vmem>> -> memref<128xi32, #tpu.memory_space<vmem>>
      %dma_wait3A_175 = arith.constant 0 : i32
      %dma_wait3A_176 = arith.constant 0 : i32
      %dma_wait3A_177 = tpu.memref_slice %arg2[%dma_wait3A_175, %dma_wait3A_176] : memref<524288x128xf32, #tpu.memory_space<hbm>> -> memref<524288x128xf32, #tpu.memory_space<hbm>>
      tpu.wait_indirect_dma semaphore(%arg16 : memref<!tpu.dma_semaphore, #tpu.memory_space<semaphore_mem>>) src(%dma_wait3A_177 : memref<524288x128xf32, #tpu.memory_space<hbm>>) dst(%arg14 : memref<128x128xf32, #tpu.memory_space<vmem>>)
      %mul3A_178 = arith.constant 128 : i32
      %mul3A_179 = arith.muli %add3A_161, %mul3A_178 : i32
      %dma_start3A_180 = arith.constant 0 : i32
      %dma_start3A_181 = tpu.memref_slice %arg7[%select_n3A, %mul3A_179, %dma_start3A_180] : memref<8x13104x128xf32, #tpu.memory_space<hbm>> -> memref<1x128x128xf32, #tpu.memory_space<hbm>>
      %dma_start3A_182 = tpu.memref_squeeze %dma_start3A_181 : memref<1x128x128xf32, #tpu.memory_space<hbm>> -> memref<128x128xf32, #tpu.memory_space<hbm>>
      %dma_start3A_183 = arith.constant 0 : i32
      %dma_start3A_184 = tpu.memref_slice %arg7[%select_n3A, %mul3A_179, %dma_start3A_183] : memref<8x13104x128xf32, #tpu.memory_space<hbm>> -> memref<1x128x128xf32, #tpu.memory_space<hbm>>
      %dma_start3A_185 = tpu.memref_squeeze %dma_start3A_184 : memref<1x128x128xf32, #tpu.memory_space<hbm>> -> memref<128x128xf32, #tpu.memory_space<hbm>>
      tpu.enqueue_dma source(%arg14 : memref<128x128xf32, #tpu.memory_space<vmem>>) target(%dma_start3A_185 : memref<128x128xf32, #tpu.memory_space<hbm>>) target_semaphore(%arg18 : memref<!tpu.dma_semaphore, #tpu.memory_space<semaphore_mem>>)
      %dma_wait3A_186 = tpu.memref_slice %arg13[%add3A_167] : memref<3328xi32, #tpu.memory_space<vmem>> -> memref<128xi32, #tpu.memory_space<vmem>>
      %dma_wait3A_187 = arith.constant 0 : i32
      %dma_wait3A_188 = arith.constant 0 : i32
      %dma_wait3A_189 = tpu.memref_slice %arg2[%dma_wait3A_187, %dma_wait3A_188] : memref<524288x128xf32, #tpu.memory_space<hbm>> -> memref<524288x128xf32, #tpu.memory_space<hbm>>
      tpu.wait_indirect_dma semaphore(%arg17 : memref<!tpu.dma_semaphore, #tpu.memory_space<semaphore_mem>>) src(%dma_wait3A_189 : memref<524288x128xf32, #tpu.memory_space<hbm>>) dst(%arg15 : memref<128x128xf32, #tpu.memory_space<vmem>>)
      %mul3A_190 = arith.constant 128 : i32
      %mul3A_191 = arith.muli %add3A_161, %mul3A_190 : i32
      %add3A_192 = arith.constant 128 : i32
      %add3A_193 = arith.addi %mul3A_191, %add3A_192 : i32
      %dma_start3A_194 = arith.constant 0 : i32
      %dma_start3A_195 = tpu.memref_slice %arg7[%select_n3A, %add3A_193, %dma_start3A_194] : memref<8x13104x128xf32, #tpu.memory_space<hbm>> -> memref<1x128x128xf32, #tpu.memory_space<hbm>>
      %dma_start3A_196 = tpu.memref_squeeze %dma_start3A_195 : memref<1x128x128xf32, #tpu.memory_space<hbm>> -> memref<128x128xf32, #tpu.memory_space<hbm>>
      %dma_start3A_197 = arith.constant 0 : i32
      %dma_start3A_198 = tpu.memref_slice %arg7[%select_n3A, %add3A_193, %dma_start3A_197] : memref<8x13104x128xf32, #tpu.memory_space<hbm>> -> memref<1x128x128xf32, #tpu.memory_space<hbm>>
      %dma_start3A_199 = tpu.memref_squeeze %dma_start3A_198 : memref<1x128x128xf32, #tpu.memory_space<hbm>> -> memref<128x128xf32, #tpu.memory_space<hbm>>
      tpu.enqueue_dma source(%arg15 : memref<128x128xf32, #tpu.memory_space<vmem>>) target(%dma_start3A_199 : memref<128x128xf32, #tpu.memory_space<hbm>>) target_semaphore(%arg19 : memref<!tpu.dma_semaphore, #tpu.memory_space<semaphore_mem>>)
      %dma_wait3A_200 = arith.constant 0 : i32
      %dma_wait3A_201 = tpu.memref_slice %arg7[%select_n3A, %mul3A_179, %dma_wait3A_200] : memref<8x13104x128xf32, #tpu.memory_space<hbm>> -> memref<1x128x128xf32, #tpu.memory_space<hbm>>
      %dma_wait3A_202 = tpu.memref_squeeze %dma_wait3A_201 : memref<1x128x128xf32, #tpu.memory_space<hbm>> -> memref<128x128xf32, #tpu.memory_space<hbm>>
      %dma_wait3A_203 = arith.constant 0 : i32
      %dma_wait3A_204 = tpu.memref_slice %arg7[%select_n3A, %mul3A_179, %dma_wait3A_203] : memref<8x13104x128xf32, #tpu.memory_space<hbm>> -> memref<1x128x128xf32, #tpu.memory_space<hbm>>
      %dma_wait3A_205 = tpu.memref_squeeze %dma_wait3A_204 : memref<1x128x128xf32, #tpu.memory_space<hbm>> -> memref<128x128xf32, #tpu.memory_space<hbm>>
      tpu.wait_dma2 semaphore(%arg18 : memref<!tpu.dma_semaphore, #tpu.memory_space<semaphore_mem>>) src(%arg14 : memref<128x128xf32, #tpu.memory_space<vmem>>) dst(%dma_wait3A_205 : memref<128x128xf32, #tpu.memory_space<hbm>>)
      %dma_wait3A_206 = arith.constant 0 : i32
      %dma_wait3A_207 = tpu.memref_slice %arg7[%select_n3A, %add3A_193, %dma_wait3A_206] : memref<8x13104x128xf32, #tpu.memory_space<hbm>> -> memref<1x128x128xf32, #tpu.memory_space<hbm>>
      %dma_wait3A_208 = tpu.memref_squeeze %dma_wait3A_207 : memref<1x128x128xf32, #tpu.memory_space<hbm>> -> memref<128x128xf32, #tpu.memory_space<hbm>>
      %dma_wait3A_209 = arith.constant 0 : i32
      %dma_wait3A_210 = tpu.memref_slice %arg7[%select_n3A, %add3A_193, %dma_wait3A_209] : memref<8x13104x128xf32, #tpu.memory_space<hbm>> -> memref<1x128x128xf32, #tpu.memory_space<hbm>>
      %dma_wait3A_211 = tpu.memref_squeeze %dma_wait3A_210 : memref<1x128x128xf32, #tpu.memory_space<hbm>> -> memref<128x128xf32, #tpu.memory_space<hbm>>
      tpu.wait_dma2 semaphore(%arg19 : memref<!tpu.dma_semaphore, #tpu.memory_space<semaphore_mem>>) src(%arg15 : memref<128x128xf32, #tpu.memory_space<vmem>>) dst(%dma_wait3A_211 : memref<128x128xf32, #tpu.memory_space<hbm>>)
      %while3A_212 = arith.constant 0 : i32
      scf.yield %while3A_212 : i32
    }
    %eq3A_110 = arith.constant 103 : i32
    %eq3A_111 = arith.cmpi eq, %min3A_57, %eq3A_110 : i32
    %convert_element_type3A_112 = arith.extui %eq3A_111 : i1 to i32
    %cond3A_113 = arith.constant 0 : i32
    %cond3A_114 = arith.cmpi ne, %convert_element_type3A_112, %cond3A_113 : i32
    scf.if %cond3A_114 {
      %sub3A_157 = arith.constant 102 : i32
      %sub3A_158 = arith.subi %sub3A_157, %mul3A_52 : i32
      %mul3A_159 = arith.constant 128 : i32
      %mul3A_160 = arith.muli %sub3A_158, %mul3A_159 : i32
      %dma_start3A = arith.constant 0 : i32
      %dma_start3A_161 = arith.constant 0 : i32
      %dma_start3A_162 = tpu.memref_slice %arg14[%dma_start3A, %dma_start3A_161] : memref<128x128xf32, #tpu.memory_space<vmem>> -> memref<48x128xf32, #tpu.memory_space<vmem>>
      %dma_start3A_163 = tpu.memref_slice %arg13[%mul3A_160] : memref<3328xi32, #tpu.memory_space<vmem>> -> memref<48xi32, #tpu.memory_space<vmem>>
      %dma_start3A_164 = arith.constant 0 : i32
      %dma_start3A_165 = arith.constant 0 : i32
      %dma_start3A_166 = tpu.memref_slice %arg2[%dma_start3A_164, %dma_start3A_165] : memref<524288x128xf32, #tpu.memory_space<hbm>> -> memref<524288x128xf32, #tpu.memory_space<hbm>>
      tpu.enqueue_indirect_dma source(%dma_start3A_166 : memref<524288x128xf32, #tpu.memory_space<hbm>>) target(%dma_start3A_162 : memref<48x128xf32, #tpu.memory_space<vmem>>) offsets(%dma_start3A_163 : memref<48xi32, #tpu.memory_space<vmem>>) semaphore(%arg16 : memref<!tpu.dma_semaphore, #tpu.memory_space<semaphore_mem>>)
      %dma_wait3A = arith.constant 0 : i32
      %dma_wait3A_167 = arith.constant 0 : i32
      %dma_wait3A_168 = tpu.memref_slice %arg14[%dma_wait3A, %dma_wait3A_167] : memref<128x128xf32, #tpu.memory_space<vmem>> -> memref<48x128xf32, #tpu.memory_space<vmem>>
      %dma_wait3A_169 = tpu.memref_slice %arg13[%mul3A_160] : memref<3328xi32, #tpu.memory_space<vmem>> -> memref<48xi32, #tpu.memory_space<vmem>>
      %dma_wait3A_170 = arith.constant 0 : i32
      %dma_wait3A_171 = arith.constant 0 : i32
      %dma_wait3A_172 = tpu.memref_slice %arg2[%dma_wait3A_170, %dma_wait3A_171] : memref<524288x128xf32, #tpu.memory_space<hbm>> -> memref<524288x128xf32, #tpu.memory_space<hbm>>
      tpu.wait_indirect_dma semaphore(%arg16 : memref<!tpu.dma_semaphore, #tpu.memory_space<semaphore_mem>>) src(%dma_wait3A_172 : memref<524288x128xf32, #tpu.memory_space<hbm>>) dst(%dma_wait3A_168 : memref<48x128xf32, #tpu.memory_space<vmem>>)
      "tpu.region"() ({
        %run_scoped3A_173 = tpu.sem_alloc : memref<!tpu.dma_semaphore, #tpu.memory_space<semaphore_mem>>
        %dma_start3A_174 = arith.constant 0 : i32
        %dma_start3A_175 = arith.constant 0 : i32
        %dma_start3A_176 = tpu.memref_slice %arg14[%dma_start3A_174, %dma_start3A_175] : memref<128x128xf32, #tpu.memory_space<vmem>> -> memref<48x128xf32, #tpu.memory_space<vmem>>
        %dma_start3A_177 = arith.constant 13056 : i32
        %dma_start3A_178 = arith.constant 0 : i32
        %dma_start3A_179 = tpu.memref_slice %arg7[%select_n3A, %dma_start3A_177, %dma_start3A_178] : memref<8x13104x128xf32, #tpu.memory_space<hbm>> -> memref<1x48x128xf32, #tpu.memory_space<hbm>>
        %dma_start3A_180 = tpu.memref_squeeze %dma_start3A_179 : memref<1x48x128xf32, #tpu.memory_space<hbm>> -> memref<48x128xf32, #tpu.memory_space<hbm>>
        %dma_start3A_181 = arith.constant 13056 : i32
        %dma_start3A_182 = arith.constant 0 : i32
        %dma_start3A_183 = tpu.memref_slice %arg7[%select_n3A, %dma_start3A_181, %dma_start3A_182] : memref<8x13104x128xf32, #tpu.memory_space<hbm>> -> memref<1x48x128xf32, #tpu.memory_space<hbm>>
        %dma_start3A_184 = tpu.memref_squeeze %dma_start3A_183 : memref<1x48x128xf32, #tpu.memory_space<hbm>> -> memref<48x128xf32, #tpu.memory_space<hbm>>
        %dma_start3A_185 = arith.constant 0 : i32
        %dma_start3A_186 = arith.constant 0 : i32
        %dma_start3A_187 = tpu.memref_slice %arg14[%dma_start3A_185, %dma_start3A_186] : memref<128x128xf32, #tpu.memory_space<vmem>> -> memref<48x128xf32, #tpu.memory_space<vmem>>
        tpu.enqueue_dma source(%dma_start3A_187 : memref<48x128xf32, #tpu.memory_space<vmem>>) target(%dma_start3A_184 : memref<48x128xf32, #tpu.memory_space<hbm>>) target_semaphore(%run_scoped3A_173 : memref<!tpu.dma_semaphore, #tpu.memory_space<semaphore_mem>>)
        %dma_wait3A_188 = arith.constant 0 : i32
        %dma_wait3A_189 = arith.constant 0 : i32
        %dma_wait3A_190 = tpu.memref_slice %arg14[%dma_wait3A_188, %dma_wait3A_189] : memref<128x128xf32, #tpu.memory_space<vmem>> -> memref<48x128xf32, #tpu.memory_space<vmem>>
        %dma_wait3A_191 = arith.constant 13056 : i32
        %dma_wait3A_192 = arith.constant 0 : i32
        %dma_wait3A_193 = tpu.memref_slice %arg7[%select_n3A, %dma_wait3A_191, %dma_wait3A_192] : memref<8x13104x128xf32, #tpu.memory_space<hbm>> -> memref<1x48x128xf32, #tpu.memory_space<hbm>>
        %dma_wait3A_194 = tpu.memref_squeeze %dma_wait3A_193 : memref<1x48x128xf32, #tpu.memory_space<hbm>> -> memref<48x128xf32, #tpu.memory_space<hbm>>
        %dma_wait3A_195 = arith.constant 13056 : i32
        %dma_wait3A_196 = arith.constant 0 : i32
        %dma_wait3A_197 = tpu.memref_slice %arg7[%select_n3A, %dma_wait3A_195, %dma_wait3A_196] : memref<8x13104x128xf32, #tpu.memory_space<hbm>> -> memref<1x48x128xf32, #tpu.memory_space<hbm>>
        %dma_wait3A_198 = tpu.memref_squeeze %dma_wait3A_197 : memref<1x48x128xf32, #tpu.memory_space<hbm>> -> memref<48x128xf32, #tpu.memory_space<hbm>>
        %dma_wait3A_199 = arith.constant 0 : i32
        %dma_wait3A_200 = arith.constant 0 : i32
        %dma_wait3A_201 = tpu.memref_slice %arg14[%dma_wait3A_199, %dma_wait3A_200] : memref<128x128xf32, #tpu.memory_space<vmem>> -> memref<48x128xf32, #tpu.memory_space<vmem>>
        tpu.wait_dma2 semaphore(%run_scoped3A_173 : memref<!tpu.dma_semaphore, #tpu.memory_space<semaphore_mem>>) src(%dma_wait3A_201 : memref<48x128xf32, #tpu.memory_space<vmem>>) dst(%dma_wait3A_198 : memref<48x128xf32, #tpu.memory_space<hbm>>)
        tpu.yield
      }) : () -> ()
    } else {
    }
    %sub3A_115 = arith.subi %min3A_59, %mul3A_52 : i32
    %jit3A_116 = arith.constant 2 : i32
    %div3A_117 = arith.divsi %sub3A_115, %jit3A_116 : i32
    %sign3A_118 = arith.constant 0 : i32
    %sign3A_119 = arith.cmpi sgt, %sub3A_115, %sign3A_118 : i32
    %sign3A_120 = arith.extui %sign3A_119 : i1 to i32
    %sign3A_121 = arith.constant 0 : i32
    %sign3A_122 = arith.cmpi slt, %sub3A_115, %sign3A_121 : i32
    %sign3A_123 = arith.extui %sign3A_122 : i1 to i32
    %sign3A_124 = arith.subi %sign3A_120, %sign3A_123 : i32
    %sign3A_125 = arith.constant 0 : i32
    %sign3A_126 = arith.cmpi sgt, %jit3A_116, %sign3A_125 : i32
    %sign3A_127 = arith.extui %sign3A_126 : i1 to i32
    %sign3A_128 = arith.constant 0 : i32
    %sign3A_129 = arith.cmpi slt, %jit3A_116, %sign3A_128 : i32
    %sign3A_130 = arith.extui %sign3A_129 : i1 to i32
    %sign3A_131 = arith.subi %sign3A_127, %sign3A_130 : i32
    %ne3A_132 = arith.cmpi ne, %sign3A_124, %sign3A_131 : i32
    %rem3A_133 = arith.remsi %sub3A_115, %jit3A_116 : i32
    %ne3A_134 = arith.constant 0 : i32
    %ne3A_135 = arith.cmpi ne, %rem3A_133, %ne3A_134 : i32
    %and3A_136 = arith.andi %ne3A_132, %ne3A_135 : i1
    %sub3A_137 = arith.constant 1 : i32
    %sub3A_138 = arith.subi %div3A_117, %sub3A_137 : i32
    %select_n3A_139 = arith.select %and3A_136, %sub3A_138, %div3A_117 : i32
    %while3A_140 = arith.constant 0 : i32
    %while3A_141 = arith.constant 0 : i32
    %while3A_142 = arith.subi %select_n3A_139, %while3A_140 : i32
    %while3A_143 = arith.addi %while3A_140, %while3A_142 : i32
    %while3A_144 = arith.constant 1 : i32
    %while3A_145 = arith.divsi %while3A_142, %while3A_144 : i32
    %while3A_146 = arith.muli %while3A_145, %while3A_144 : i32
    %while3A_147 = arith.addi %while3A_140, %while3A_146 : i32
    %while3A_148 = arith.constant 1 : i32
    %while3A_149 = scf.for %while3A_157 = %while3A_140 to %while3A_147 step %while3A_148 iter_args(%while3A_158 = %while3A_141) -> (i32)  : i32 {
      %mul3A_159 = arith.constant 2 : i32
      %mul3A_160 = arith.muli %mul3A_159, %while3A_157 : i32
      %add3A_161 = arith.addi %mul3A_52, %mul3A_160 : i32
      %mul3A_162 = arith.constant 2 : i32
      %mul3A_163 = arith.muli %mul3A_162, %while3A_157 : i32
      %mul3A_164 = arith.constant 128 : i32
      %mul3A_165 = arith.muli %mul3A_163, %mul3A_164 : i32
      %add3A_166 = arith.constant 128 : i32
      %add3A_167 = arith.addi %mul3A_165, %add3A_166 : i32
      %dma_start3A = tpu.memref_slice %arg13[%mul3A_165] : memref<3328xi32, #tpu.memory_space<vmem>> -> memref<128xi32, #tpu.memory_space<vmem>>
      %dma_start3A_168 = arith.constant 0 : i32
      %dma_start3A_169 = arith.constant 0 : i32
      %dma_start3A_170 = tpu.memref_slice %arg3[%dma_start3A_168, %dma_start3A_169] : memref<524288x128xf32, #tpu.memory_space<hbm>> -> memref<524288x128xf32, #tpu.memory_space<hbm>>
      tpu.enqueue_indirect_dma source(%dma_start3A_170 : memref<524288x128xf32, #tpu.memory_space<hbm>>) target(%arg14 : memref<128x128xf32, #tpu.memory_space<vmem>>) offsets(%dma_start3A : memref<128xi32, #tpu.memory_space<vmem>>) semaphore(%arg16 : memref<!tpu.dma_semaphore, #tpu.memory_space<semaphore_mem>>)
      %dma_start3A_171 = tpu.memref_slice %arg13[%add3A_167] : memref<3328xi32, #tpu.memory_space<vmem>> -> memref<128xi32, #tpu.memory_space<vmem>>
      %dma_start3A_172 = arith.constant 0 : i32
      %dma_start3A_173 = arith.constant 0 : i32
      %dma_start3A_174 = tpu.memref_slice %arg3[%dma_start3A_172, %dma_start3A_173] : memref<524288x128xf32, #tpu.memory_space<hbm>> -> memref<524288x128xf32, #tpu.memory_space<hbm>>
      tpu.enqueue_indirect_dma source(%dma_start3A_174 : memref<524288x128xf32, #tpu.memory_space<hbm>>) target(%arg15 : memref<128x128xf32, #tpu.memory_space<vmem>>) offsets(%dma_start3A_171 : memref<128xi32, #tpu.memory_space<vmem>>) semaphore(%arg17 : memref<!tpu.dma_semaphore, #tpu.memory_space<semaphore_mem>>)
      %dma_wait3A = tpu.memref_slice %arg13[%mul3A_165] : memref<3328xi32, #tpu.memory_space<vmem>> -> memref<128xi32, #tpu.memory_space<vmem>>
      %dma_wait3A_175 = arith.constant 0 : i32
      %dma_wait3A_176 = arith.constant 0 : i32
      %dma_wait3A_177 = tpu.memref_slice %arg3[%dma_wait3A_175, %dma_wait3A_176] : memref<524288x128xf32, #tpu.memory_space<hbm>> -> memref<524288x128xf32, #tpu.memory_space<hbm>>
      tpu.wait_indirect_dma semaphore(%arg16 : memref<!tpu.dma_semaphore, #tpu.memory_space<semaphore_mem>>) src(%dma_wait3A_177 : memref<524288x128xf32, #tpu.memory_space<hbm>>) dst(%arg14 : memref<128x128xf32, #tpu.memory_space<vmem>>)
      %mul3A_178 = arith.constant 128 : i32
      %mul3A_179 = arith.muli %add3A_161, %mul3A_178 : i32
      %dma_start3A_180 = arith.constant 0 : i32
      %dma_start3A_181 = tpu.memref_slice %arg8[%select_n3A, %mul3A_179, %dma_start3A_180] : memref<8x13104x128xf32, #tpu.memory_space<hbm>> -> memref<1x128x128xf32, #tpu.memory_space<hbm>>
      %dma_start3A_182 = tpu.memref_squeeze %dma_start3A_181 : memref<1x128x128xf32, #tpu.memory_space<hbm>> -> memref<128x128xf32, #tpu.memory_space<hbm>>
      %dma_start3A_183 = arith.constant 0 : i32
      %dma_start3A_184 = tpu.memref_slice %arg8[%select_n3A, %mul3A_179, %dma_start3A_183] : memref<8x13104x128xf32, #tpu.memory_space<hbm>> -> memref<1x128x128xf32, #tpu.memory_space<hbm>>
      %dma_start3A_185 = tpu.memref_squeeze %dma_start3A_184 : memref<1x128x128xf32, #tpu.memory_space<hbm>> -> memref<128x128xf32, #tpu.memory_space<hbm>>
      tpu.enqueue_dma source(%arg14 : memref<128x128xf32, #tpu.memory_space<vmem>>) target(%dma_start3A_185 : memref<128x128xf32, #tpu.memory_space<hbm>>) target_semaphore(%arg18 : memref<!tpu.dma_semaphore, #tpu.memory_space<semaphore_mem>>)
      %dma_wait3A_186 = tpu.memref_slice %arg13[%add3A_167] : memref<3328xi32, #tpu.memory_space<vmem>> -> memref<128xi32, #tpu.memory_space<vmem>>
      %dma_wait3A_187 = arith.constant 0 : i32
      %dma_wait3A_188 = arith.constant 0 : i32
      %dma_wait3A_189 = tpu.memref_slice %arg3[%dma_wait3A_187, %dma_wait3A_188] : memref<524288x128xf32, #tpu.memory_space<hbm>> -> memref<524288x128xf32, #tpu.memory_space<hbm>>
      tpu.wait_indirect_dma semaphore(%arg17 : memref<!tpu.dma_semaphore, #tpu.memory_space<semaphore_mem>>) src(%dma_wait3A_189 : memref<524288x128xf32, #tpu.memory_space<hbm>>) dst(%arg15 : memref<128x128xf32, #tpu.memory_space<vmem>>)
      %mul3A_190 = arith.constant 128 : i32
      %mul3A_191 = arith.muli %add3A_161, %mul3A_190 : i32
      %add3A_192 = arith.constant 128 : i32
      %add3A_193 = arith.addi %mul3A_191, %add3A_192 : i32
      %dma_start3A_194 = arith.constant 0 : i32
      %dma_start3A_195 = tpu.memref_slice %arg8[%select_n3A, %add3A_193, %dma_start3A_194] : memref<8x13104x128xf32, #tpu.memory_space<hbm>> -> memref<1x128x128xf32, #tpu.memory_space<hbm>>
      %dma_start3A_196 = tpu.memref_squeeze %dma_start3A_195 : memref<1x128x128xf32, #tpu.memory_space<hbm>> -> memref<128x128xf32, #tpu.memory_space<hbm>>
      %dma_start3A_197 = arith.constant 0 : i32
      %dma_start3A_198 = tpu.memref_slice %arg8[%select_n3A, %add3A_193, %dma_start3A_197] : memref<8x13104x128xf32, #tpu.memory_space<hbm>> -> memref<1x128x128xf32, #tpu.memory_space<hbm>>
      %dma_start3A_199 = tpu.memref_squeeze %dma_start3A_198 : memref<1x128x128xf32, #tpu.memory_space<hbm>> -> memref<128x128xf32, #tpu.memory_space<hbm>>
      tpu.enqueue_dma source(%arg15 : memref<128x128xf32, #tpu.memory_space<vmem>>) target(%dma_start3A_199 : memref<128x128xf32, #tpu.memory_space<hbm>>) target_semaphore(%arg19 : memref<!tpu.dma_semaphore, #tpu.memory_space<semaphore_mem>>)
      %dma_wait3A_200 = arith.constant 0 : i32
      %dma_wait3A_201 = tpu.memref_slice %arg8[%select_n3A, %mul3A_179, %dma_wait3A_200] : memref<8x13104x128xf32, #tpu.memory_space<hbm>> -> memref<1x128x128xf32, #tpu.memory_space<hbm>>
      %dma_wait3A_202 = tpu.memref_squeeze %dma_wait3A_201 : memref<1x128x128xf32, #tpu.memory_space<hbm>> -> memref<128x128xf32, #tpu.memory_space<hbm>>
      %dma_wait3A_203 = arith.constant 0 : i32
      %dma_wait3A_204 = tpu.memref_slice %arg8[%select_n3A, %mul3A_179, %dma_wait3A_203] : memref<8x13104x128xf32, #tpu.memory_space<hbm>> -> memref<1x128x128xf32, #tpu.memory_space<hbm>>
      %dma_wait3A_205 = tpu.memref_squeeze %dma_wait3A_204 : memref<1x128x128xf32, #tpu.memory_space<hbm>> -> memref<128x128xf32, #tpu.memory_space<hbm>>
      tpu.wait_dma2 semaphore(%arg18 : memref<!tpu.dma_semaphore, #tpu.memory_space<semaphore_mem>>) src(%arg14 : memref<128x128xf32, #tpu.memory_space<vmem>>) dst(%dma_wait3A_205 : memref<128x128xf32, #tpu.memory_space<hbm>>)
      %dma_wait3A_206 = arith.constant 0 : i32
      %dma_wait3A_207 = tpu.memref_slice %arg8[%select_n3A, %add3A_193, %dma_wait3A_206] : memref<8x13104x128xf32, #tpu.memory_space<hbm>> -> memref<1x128x128xf32, #tpu.memory_space<hbm>>
      %dma_wait3A_208 = tpu.memref_squeeze %dma_wait3A_207 : memref<1x128x128xf32, #tpu.memory_space<hbm>> -> memref<128x128xf32, #tpu.memory_space<hbm>>
      %dma_wait3A_209 = arith.constant 0 : i32
      %dma_wait3A_210 = tpu.memref_slice %arg8[%select_n3A, %add3A_193, %dma_wait3A_209] : memref<8x13104x128xf32, #tpu.memory_space<hbm>> -> memref<1x128x128xf32, #tpu.memory_space<hbm>>
      %dma_wait3A_211 = tpu.memref_squeeze %dma_wait3A_210 : memref<1x128x128xf32, #tpu.memory_space<hbm>> -> memref<128x128xf32, #tpu.memory_space<hbm>>
      tpu.wait_dma2 semaphore(%arg19 : memref<!tpu.dma_semaphore, #tpu.memory_space<semaphore_mem>>) src(%arg15 : memref<128x128xf32, #tpu.memory_space<vmem>>) dst(%dma_wait3A_211 : memref<128x128xf32, #tpu.memory_space<hbm>>)
      %while3A_212 = arith.constant 0 : i32
      scf.yield %while3A_212 : i32
    }
    %while3A_150 = arith.constant 1 : i32
    %while3A_151 = scf.for %while3A_157 = %while3A_147 to %while3A_143 step %while3A_150 iter_args(%while3A_158 = %while3A_149) -> (i32)  : i32 {
      %mul3A_159 = arith.constant 2 : i32
      %mul3A_160 = arith.muli %mul3A_159, %while3A_157 : i32
      %add3A_161 = arith.addi %mul3A_52, %mul3A_160 : i32
      %mul3A_162 = arith.constant 2 : i32
      %mul3A_163 = arith.muli %mul3A_162, %while3A_157 : i32
      %mul3A_164 = arith.constant 128 : i32
      %mul3A_165 = arith.muli %mul3A_163, %mul3A_164 : i32
      %add3A_166 = arith.constant 128 : i32
      %add3A_167 = arith.addi %mul3A_165, %add3A_166 : i32
      %dma_start3A = tpu.memref_slice %arg13[%mul3A_165] : memref<3328xi32, #tpu.memory_space<vmem>> -> memref<128xi32, #tpu.memory_space<vmem>>
      %dma_start3A_168 = arith.constant 0 : i32
      %dma_start3A_169 = arith.constant 0 : i32
      %dma_start3A_170 = tpu.memref_slice %arg3[%dma_start3A_168, %dma_start3A_169] : memref<524288x128xf32, #tpu.memory_space<hbm>> -> memref<524288x128xf32, #tpu.memory_space<hbm>>
      tpu.enqueue_indirect_dma source(%dma_start3A_170 : memref<524288x128xf32, #tpu.memory_space<hbm>>) target(%arg14 : memref<128x128xf32, #tpu.memory_space<vmem>>) offsets(%dma_start3A : memref<128xi32, #tpu.memory_space<vmem>>) semaphore(%arg16 : memref<!tpu.dma_semaphore, #tpu.memory_space<semaphore_mem>>)
      %dma_start3A_171 = tpu.memref_slice %arg13[%add3A_167] : memref<3328xi32, #tpu.memory_space<vmem>> -> memref<128xi32, #tpu.memory_space<vmem>>
      %dma_start3A_172 = arith.constant 0 : i32
      %dma_start3A_173 = arith.constant 0 : i32
      %dma_start3A_174 = tpu.memref_slice %arg3[%dma_start3A_172, %dma_start3A_173] : memref<524288x128xf32, #tpu.memory_space<hbm>> -> memref<524288x128xf32, #tpu.memory_space<hbm>>
      tpu.enqueue_indirect_dma source(%dma_start3A_174 : memref<524288x128xf32, #tpu.memory_space<hbm>>) target(%arg15 : memref<128x128xf32, #tpu.memory_space<vmem>>) offsets(%dma_start3A_171 : memref<128xi32, #tpu.memory_space<vmem>>) semaphore(%arg17 : memref<!tpu.dma_semaphore, #tpu.memory_space<semaphore_mem>>)
      %dma_wait3A = tpu.memref_slice %arg13[%mul3A_165] : memref<3328xi32, #tpu.memory_space<vmem>> -> memref<128xi32, #tpu.memory_space<vmem>>
      %dma_wait3A_175 = arith.constant 0 : i32
      %dma_wait3A_176 = arith.constant 0 : i32
      %dma_wait3A_177 = tpu.memref_slice %arg3[%dma_wait3A_175, %dma_wait3A_176] : memref<524288x128xf32, #tpu.memory_space<hbm>> -> memref<524288x128xf32, #tpu.memory_space<hbm>>
      tpu.wait_indirect_dma semaphore(%arg16 : memref<!tpu.dma_semaphore, #tpu.memory_space<semaphore_mem>>) src(%dma_wait3A_177 : memref<524288x128xf32, #tpu.memory_space<hbm>>) dst(%arg14 : memref<128x128xf32, #tpu.memory_space<vmem>>)
      %mul3A_178 = arith.constant 128 : i32
      %mul3A_179 = arith.muli %add3A_161, %mul3A_178 : i32
      %dma_start3A_180 = arith.constant 0 : i32
      %dma_start3A_181 = tpu.memref_slice %arg8[%select_n3A, %mul3A_179, %dma_start3A_180] : memref<8x13104x128xf32, #tpu.memory_space<hbm>> -> memref<1x128x128xf32, #tpu.memory_space<hbm>>
      %dma_start3A_182 = tpu.memref_squeeze %dma_start3A_181 : memref<1x128x128xf32, #tpu.memory_space<hbm>> -> memref<128x128xf32, #tpu.memory_space<hbm>>
      %dma_start3A_183 = arith.constant 0 : i32
      %dma_start3A_184 = tpu.memref_slice %arg8[%select_n3A, %mul3A_179, %dma_start3A_183] : memref<8x13104x128xf32, #tpu.memory_space<hbm>> -> memref<1x128x128xf32, #tpu.memory_space<hbm>>
      %dma_start3A_185 = tpu.memref_squeeze %dma_start3A_184 : memref<1x128x128xf32, #tpu.memory_space<hbm>> -> memref<128x128xf32, #tpu.memory_space<hbm>>
      tpu.enqueue_dma source(%arg14 : memref<128x128xf32, #tpu.memory_space<vmem>>) target(%dma_start3A_185 : memref<128x128xf32, #tpu.memory_space<hbm>>) target_semaphore(%arg18 : memref<!tpu.dma_semaphore, #tpu.memory_space<semaphore_mem>>)
      %dma_wait3A_186 = tpu.memref_slice %arg13[%add3A_167] : memref<3328xi32, #tpu.memory_space<vmem>> -> memref<128xi32, #tpu.memory_space<vmem>>
      %dma_wait3A_187 = arith.constant 0 : i32
      %dma_wait3A_188 = arith.constant 0 : i32
      %dma_wait3A_189 = tpu.memref_slice %arg3[%dma_wait3A_187, %dma_wait3A_188] : memref<524288x128xf32, #tpu.memory_space<hbm>> -> memref<524288x128xf32, #tpu.memory_space<hbm>>
      tpu.wait_indirect_dma semaphore(%arg17 : memref<!tpu.dma_semaphore, #tpu.memory_space<semaphore_mem>>) src(%dma_wait3A_189 : memref<524288x128xf32, #tpu.memory_space<hbm>>) dst(%arg15 : memref<128x128xf32, #tpu.memory_space<vmem>>)
      %mul3A_190 = arith.constant 128 : i32
      %mul3A_191 = arith.muli %add3A_161, %mul3A_190 : i32
      %add3A_192 = arith.constant 128 : i32
      %add3A_193 = arith.addi %mul3A_191, %add3A_192 : i32
      %dma_start3A_194 = arith.constant 0 : i32
      %dma_start3A_195 = tpu.memref_slice %arg8[%select_n3A, %add3A_193, %dma_start3A_194] : memref<8x13104x128xf32, #tpu.memory_space<hbm>> -> memref<1x128x128xf32, #tpu.memory_space<hbm>>
      %dma_start3A_196 = tpu.memref_squeeze %dma_start3A_195 : memref<1x128x128xf32, #tpu.memory_space<hbm>> -> memref<128x128xf32, #tpu.memory_space<hbm>>
      %dma_start3A_197 = arith.constant 0 : i32
      %dma_start3A_198 = tpu.memref_slice %arg8[%select_n3A, %add3A_193, %dma_start3A_197] : memref<8x13104x128xf32, #tpu.memory_space<hbm>> -> memref<1x128x128xf32, #tpu.memory_space<hbm>>
      %dma_start3A_199 = tpu.memref_squeeze %dma_start3A_198 : memref<1x128x128xf32, #tpu.memory_space<hbm>> -> memref<128x128xf32, #tpu.memory_space<hbm>>
      tpu.enqueue_dma source(%arg15 : memref<128x128xf32, #tpu.memory_space<vmem>>) target(%dma_start3A_199 : memref<128x128xf32, #tpu.memory_space<hbm>>) target_semaphore(%arg19 : memref<!tpu.dma_semaphore, #tpu.memory_space<semaphore_mem>>)
      %dma_wait3A_200 = arith.constant 0 : i32
      %dma_wait3A_201 = tpu.memref_slice %arg8[%select_n3A, %mul3A_179, %dma_wait3A_200] : memref<8x13104x128xf32, #tpu.memory_space<hbm>> -> memref<1x128x128xf32, #tpu.memory_space<hbm>>
      %dma_wait3A_202 = tpu.memref_squeeze %dma_wait3A_201 : memref<1x128x128xf32, #tpu.memory_space<hbm>> -> memref<128x128xf32, #tpu.memory_space<hbm>>
      %dma_wait3A_203 = arith.constant 0 : i32
      %dma_wait3A_204 = tpu.memref_slice %arg8[%select_n3A, %mul3A_179, %dma_wait3A_203] : memref<8x13104x128xf32, #tpu.memory_space<hbm>> -> memref<1x128x128xf32, #tpu.memory_space<hbm>>
      %dma_wait3A_205 = tpu.memref_squeeze %dma_wait3A_204 : memref<1x128x128xf32, #tpu.memory_space<hbm>> -> memref<128x128xf32, #tpu.memory_space<hbm>>
      tpu.wait_dma2 semaphore(%arg18 : memref<!tpu.dma_semaphore, #tpu.memory_space<semaphore_mem>>) src(%arg14 : memref<128x128xf32, #tpu.memory_space<vmem>>) dst(%dma_wait3A_205 : memref<128x128xf32, #tpu.memory_space<hbm>>)
      %dma_wait3A_206 = arith.constant 0 : i32
      %dma_wait3A_207 = tpu.memref_slice %arg8[%select_n3A, %add3A_193, %dma_wait3A_206] : memref<8x13104x128xf32, #tpu.memory_space<hbm>> -> memref<1x128x128xf32, #tpu.memory_space<hbm>>
      %dma_wait3A_208 = tpu.memref_squeeze %dma_wait3A_207 : memref<1x128x128xf32, #tpu.memory_space<hbm>> -> memref<128x128xf32, #tpu.memory_space<hbm>>
      %dma_wait3A_209 = arith.constant 0 : i32
      %dma_wait3A_210 = tpu.memref_slice %arg8[%select_n3A, %add3A_193, %dma_wait3A_209] : memref<8x13104x128xf32, #tpu.memory_space<hbm>> -> memref<1x128x128xf32, #tpu.memory_space<hbm>>
      %dma_wait3A_211 = tpu.memref_squeeze %dma_wait3A_210 : memref<1x128x128xf32, #tpu.memory_space<hbm>> -> memref<128x128xf32, #tpu.memory_space<hbm>>
      tpu.wait_dma2 semaphore(%arg19 : memref<!tpu.dma_semaphore, #tpu.memory_space<semaphore_mem>>) src(%arg15 : memref<128x128xf32, #tpu.memory_space<vmem>>) dst(%dma_wait3A_211 : memref<128x128xf32, #tpu.memory_space<hbm>>)
      %while3A_212 = arith.constant 0 : i32
      scf.yield %while3A_212 : i32
    }
    %eq3A_152 = arith.constant 103 : i32
    %eq3A_153 = arith.cmpi eq, %min3A_57, %eq3A_152 : i32
    %convert_element_type3A_154 = arith.extui %eq3A_153 : i1 to i32
    %cond3A_155 = arith.constant 0 : i32
    %cond3A_156 = arith.cmpi ne, %convert_element_type3A_154, %cond3A_155 : i32
    scf.if %cond3A_156 {
      %sub3A_157 = arith.constant 102 : i32
      %sub3A_158 = arith.subi %sub3A_157, %mul3A_52 : i32
      %mul3A_159 = arith.constant 128 : i32
      %mul3A_160 = arith.muli %sub3A_158, %mul3A_159 : i32
      %dma_start3A = arith.constant 0 : i32
      %dma_start3A_161 = arith.constant 0 : i32
      %dma_start3A_162 = tpu.memref_slice %arg14[%dma_start3A, %dma_start3A_161] : memref<128x128xf32, #tpu.memory_space<vmem>> -> memref<48x128xf32, #tpu.memory_space<vmem>>
      %dma_start3A_163 = tpu.memref_slice %arg13[%mul3A_160] : memref<3328xi32, #tpu.memory_space<vmem>> -> memref<48xi32, #tpu.memory_space<vmem>>
      %dma_start3A_164 = arith.constant 0 : i32
      %dma_start3A_165 = arith.constant 0 : i32
      %dma_start3A_166 = tpu.memref_slice %arg3[%dma_start3A_164, %dma_start3A_165] : memref<524288x128xf32, #tpu.memory_space<hbm>> -> memref<524288x128xf32, #tpu.memory_space<hbm>>
      tpu.enqueue_indirect_dma source(%dma_start3A_166 : memref<524288x128xf32, #tpu.memory_space<hbm>>) target(%dma_start3A_162 : memref<48x128xf32, #tpu.memory_space<vmem>>) offsets(%dma_start3A_163 : memref<48xi32, #tpu.memory_space<vmem>>) semaphore(%arg16 : memref<!tpu.dma_semaphore, #tpu.memory_space<semaphore_mem>>)
      %dma_wait3A = arith.constant 0 : i32
      %dma_wait3A_167 = arith.constant 0 : i32
      %dma_wait3A_168 = tpu.memref_slice %arg14[%dma_wait3A, %dma_wait3A_167] : memref<128x128xf32, #tpu.memory_space<vmem>> -> memref<48x128xf32, #tpu.memory_space<vmem>>
      %dma_wait3A_169 = tpu.memref_slice %arg13[%mul3A_160] : memref<3328xi32, #tpu.memory_space<vmem>> -> memref<48xi32, #tpu.memory_space<vmem>>
      %dma_wait3A_170 = arith.constant 0 : i32
      %dma_wait3A_171 = arith.constant 0 : i32
      %dma_wait3A_172 = tpu.memref_slice %arg3[%dma_wait3A_170, %dma_wait3A_171] : memref<524288x128xf32, #tpu.memory_space<hbm>> -> memref<524288x128xf32, #tpu.memory_space<hbm>>
      tpu.wait_indirect_dma semaphore(%arg16 : memref<!tpu.dma_semaphore, #tpu.memory_space<semaphore_mem>>) src(%dma_wait3A_172 : memref<524288x128xf32, #tpu.memory_space<hbm>>) dst(%dma_wait3A_168 : memref<48x128xf32, #tpu.memory_space<vmem>>)
      "tpu.region"() ({
        %run_scoped3A_173 = tpu.sem_alloc : memref<!tpu.dma_semaphore, #tpu.memory_space<semaphore_mem>>
        %dma_start3A_174 = arith.constant 0 : i32
        %dma_start3A_175 = arith.constant 0 : i32
        %dma_start3A_176 = tpu.memref_slice %arg14[%dma_start3A_174, %dma_start3A_175] : memref<128x128xf32, #tpu.memory_space<vmem>> -> memref<48x128xf32, #tpu.memory_space<vmem>>
        %dma_start3A_177 = arith.constant 13056 : i32
        %dma_start3A_178 = arith.constant 0 : i32
        %dma_start3A_179 = tpu.memref_slice %arg8[%select_n3A, %dma_start3A_177, %dma_start3A_178] : memref<8x13104x128xf32, #tpu.memory_space<hbm>> -> memref<1x48x128xf32, #tpu.memory_space<hbm>>
        %dma_start3A_180 = tpu.memref_squeeze %dma_start3A_179 : memref<1x48x128xf32, #tpu.memory_space<hbm>> -> memref<48x128xf32, #tpu.memory_space<hbm>>
        %dma_start3A_181 = arith.constant 13056 : i32
        %dma_start3A_182 = arith.constant 0 : i32
        %dma_start3A_183 = tpu.memref_slice %arg8[%select_n3A, %dma_start3A_181, %dma_start3A_182] : memref<8x13104x128xf32, #tpu.memory_space<hbm>> -> memref<1x48x128xf32, #tpu.memory_space<hbm>>
        %dma_start3A_184 = tpu.memref_squeeze %dma_start3A_183 : memref<1x48x128xf32, #tpu.memory_space<hbm>> -> memref<48x128xf32, #tpu.memory_space<hbm>>
        %dma_start3A_185 = arith.constant 0 : i32
        %dma_start3A_186 = arith.constant 0 : i32
        %dma_start3A_187 = tpu.memref_slice %arg14[%dma_start3A_185, %dma_start3A_186] : memref<128x128xf32, #tpu.memory_space<vmem>> -> memref<48x128xf32, #tpu.memory_space<vmem>>
        tpu.enqueue_dma source(%dma_start3A_187 : memref<48x128xf32, #tpu.memory_space<vmem>>) target(%dma_start3A_184 : memref<48x128xf32, #tpu.memory_space<hbm>>) target_semaphore(%run_scoped3A_173 : memref<!tpu.dma_semaphore, #tpu.memory_space<semaphore_mem>>)
        %dma_wait3A_188 = arith.constant 0 : i32
        %dma_wait3A_189 = arith.constant 0 : i32
        %dma_wait3A_190 = tpu.memref_slice %arg14[%dma_wait3A_188, %dma_wait3A_189] : memref<128x128xf32, #tpu.memory_space<vmem>> -> memref<48x128xf32, #tpu.memory_space<vmem>>
        %dma_wait3A_191 = arith.constant 13056 : i32
        %dma_wait3A_192 = arith.constant 0 : i32
        %dma_wait3A_193 = tpu.memref_slice %arg8[%select_n3A, %dma_wait3A_191, %dma_wait3A_192] : memref<8x13104x128xf32, #tpu.memory_space<hbm>> -> memref<1x48x128xf32, #tpu.memory_space<hbm>>
        %dma_wait3A_194 = tpu.memref_squeeze %dma_wait3A_193 : memref<1x48x128xf32, #tpu.memory_space<hbm>> -> memref<48x128xf32, #tpu.memory_space<hbm>>
        %dma_wait3A_195 = arith.constant 13056 : i32
        %dma_wait3A_196 = arith.constant 0 : i32
        %dma_wait3A_197 = tpu.memref_slice %arg8[%select_n3A, %dma_wait3A_195, %dma_wait3A_196] : memref<8x13104x128xf32, #tpu.memory_space<hbm>> -> memref<1x48x128xf32, #tpu.memory_space<hbm>>
        %dma_wait3A_198 = tpu.memref_squeeze %dma_wait3A_197 : memref<1x48x128xf32, #tpu.memory_space<hbm>> -> memref<48x128xf32, #tpu.memory_space<hbm>>
        %dma_wait3A_199 = arith.constant 0 : i32
        %dma_wait3A_200 = arith.constant 0 : i32
        %dma_wait3A_201 = tpu.memref_slice %arg14[%dma_wait3A_199, %dma_wait3A_200] : memref<128x128xf32, #tpu.memory_space<vmem>> -> memref<48x128xf32, #tpu.memory_space<vmem>>
        tpu.wait_dma2 semaphore(%run_scoped3A_173 : memref<!tpu.dma_semaphore, #tpu.memory_space<semaphore_mem>>) src(%dma_wait3A_201 : memref<48x128xf32, #tpu.memory_space<vmem>>) dst(%dma_wait3A_198 : memref<48x128xf32, #tpu.memory_space<hbm>>)
        tpu.yield
      }) : () -> ()
    } else {
    }
    return
  }
}

module attributes {stable_mosaic.version = 14 : i64} {
  func.func @_select_body(%arg0: i32, %arg1: memref<8x1x8192xf32, #tpu.memory_space<vmem>>, %arg2: memref<8x128xf32, #tpu.memory_space<vmem>>, %arg3: memref<8x128xi32, #tpu.memory_space<vmem>>) attributes {dimension_semantics = [#tpu.dimension_semantics<arbitrary>], iteration_bounds = array<i64: 1>, scalar_prefetch = 0 : i64, scratch_operands = 0 : i64, tpu.core_type = #tpu.core_type<tc>, window_params = [{pipeline_mode = #tpu.pipeline_mode<synchronous>, transform_indices = @transform_0, window_bounds = array<i64: 8, 1, 8192>}, {pipeline_mode = #tpu.pipeline_mode<synchronous>, transform_indices = @transform_1, window_bounds = array<i64: 8, 128>}, {pipeline_mode = #tpu.pipeline_mode<synchronous>, transform_indices = @transform_2, window_bounds = array<i64: 8, 128>}]} {
    %get3A = arith.constant 0 : index
    %get3A_0 = arith.constant 0 : index
    %get3A_1 = arith.constant 0 : index
    %get3A_2 = vector.load %arg1[%get3A, %get3A_0, %get3A_1] : memref<8x1x8192xf32, #tpu.memory_space<vmem>>, vector<8x1x8192xf32>
    %get3A_3 = vector.shape_cast %get3A_2 : vector<8x1x8192xf32> to vector<8x8192xf32>
    %bitcast_convert_type3A = tpu.bitcast %get3A_3 : vector<8x8192xf32> -> vector<8x8192xi32>
    %broadcast_in_dim3A = arith.constant 0 : i32
    %broadcast_in_dim3A_4 = vector.broadcast %broadcast_in_dim3A : i32 to vector<8x1xi32>
    %broadcast_in_dim3A_5 = arith.constant 2139095040 : i32
    %broadcast_in_dim3A_6 = vector.broadcast %broadcast_in_dim3A_5 : i32 to vector<8x1xi32>
    %scan3A = arith.constant 0 : i32
    %scan3A_7 = arith.constant 31 : i32
    %scan3A_8 = arith.addi %scan3A, %scan3A_7 : i32
    %scan3A_9 = arith.constant 1 : i32
    %scan3A_10:2 = scf.for %scan3A_28 = %scan3A to %scan3A_8 step %scan3A_9 iter_args(%scan3A_29 = %broadcast_in_dim3A_4, %scan3A_30 = %broadcast_in_dim3A_6) -> (vector<8x1xi32>, vector<8x1xi32>)  : i32 {
      %sub3A_31 = arith.subi %scan3A_30, %scan3A_29 : vector<8x1xi32>
      %add3A_32 = arith.constant 1 : i32
      %add3A_33 = vector.broadcast %add3A_32 : i32 to vector<8x1xi32>
      %add3A_34 = arith.addi %sub3A_31, %add3A_33 : vector<8x1xi32>
      %shift_right_arithmetic3A = arith.constant 1 : i32
      %shift_right_arithmetic3A_35 = vector.broadcast %shift_right_arithmetic3A : i32 to vector<8x1xi32>
      %shift_right_arithmetic3A_36 = arith.shrsi %add3A_34, %shift_right_arithmetic3A_35 : vector<8x1xi32>
      %add3A_37 = arith.addi %scan3A_29, %shift_right_arithmetic3A_36 : vector<8x1xi32>
      %ge3A_38 = vector.broadcast %add3A_37 : vector<8x1xi32> to vector<8x8192xi32>
      %ge3A_39 = arith.cmpi sge, %bitcast_convert_type3A, %ge3A_38 : vector<8x8192xi32>
      %convert_element_type3A_40 = arith.extui %ge3A_39 : vector<8x8192xi1> to vector<8x8192xi32>
      %reduce_sum3A_41 = arith.constant dense<0> : vector<8xi32>
      %reduce_sum3A_42 = vector.multi_reduction <add>, %convert_element_type3A_40, %reduce_sum3A_41 [1] : vector<8x8192xi32> to vector<8xi32>
      %broadcast_in_dim3A_43 = vector.shape_cast %reduce_sum3A_42 : vector<8xi32> to vector<8x1xi32>
      %ge3A_44 = arith.constant 1638 : i32
      %ge3A_45 = vector.broadcast %ge3A_44 : i32 to vector<8x1xi32>
      %ge3A_46 = arith.cmpi sge, %broadcast_in_dim3A_43, %ge3A_45 : vector<8x1xi32>
      %select_n3A = arith.select %ge3A_46, %add3A_37, %scan3A_29 : vector<8x1xi1>, vector<8x1xi32>
      %sub3A_47 = arith.constant 1 : i32
      %sub3A_48 = vector.broadcast %sub3A_47 : i32 to vector<8x1xi32>
      %sub3A_49 = arith.subi %add3A_37, %sub3A_48 : vector<8x1xi32>
      %select_n3A_50 = arith.select %ge3A_46, %scan3A_30, %sub3A_49 : vector<8x1xi1>, vector<8x1xi32>
      scf.yield %select_n3A, %select_n3A_50 : vector<8x1xi32>, vector<8x1xi32>
    }
    %add3A = arith.constant 1 : i32
    %add3A_11 = vector.broadcast %add3A : i32 to vector<8x1xi32>
    %add3A_12 = arith.addi %scan3A_10#0, %add3A_11 : vector<8x1xi32>
    %ge3A = vector.broadcast %add3A_12 : vector<8x1xi32> to vector<8x8192xi32>
    %ge3A_13 = arith.cmpi sge, %bitcast_convert_type3A, %ge3A : vector<8x8192xi32>
    %convert_element_type3A = arith.extui %ge3A_13 : vector<8x8192xi1> to vector<8x8192xi32>
    %reduce_sum3A = arith.constant dense<0> : vector<8xi32>
    %reduce_sum3A_14 = vector.multi_reduction <add>, %convert_element_type3A, %reduce_sum3A [1] : vector<8x8192xi32> to vector<8xi32>
    %broadcast_in_dim3A_15 = vector.shape_cast %reduce_sum3A_14 : vector<8xi32> to vector<8x1xi32>
    %sub3A = arith.constant 1638 : i32
    %sub3A_16 = vector.broadcast %sub3A : i32 to vector<8x1xi32>
    %sub3A_17 = arith.subi %sub3A_16, %broadcast_in_dim3A_15 : vector<8x1xi32>
    %bitcast_convert_type3A_18 = tpu.bitcast %scan3A_10#0 : vector<8x1xi32> -> vector<8x1xf32>
    %broadcast_in_dim3A_19 = vector.shape_cast %bitcast_convert_type3A_18 : vector<8x1xf32> to vector<8x1xf32>
    %broadcast_in_dim3A_20 = vector.broadcast %broadcast_in_dim3A_19 : vector<8x1xf32> to vector<8x128xf32>
    %swap3A = arith.constant 0 : index
    %swap3A_21 = arith.constant 0 : index
    %swap3A_22 = vector.load %arg2[%swap3A, %swap3A_21] : memref<8x128xf32, #tpu.memory_space<vmem>>, vector<8x128xf32>
    tpu.vector_store %arg2[%swap3A, %swap3A_21], %broadcast_in_dim3A_20 {strides = array<i32>} : memref<8x128xf32, #tpu.memory_space<vmem>>, vector<8x128xf32>,
    %broadcast_in_dim3A_23 = vector.shape_cast %sub3A_17 : vector<8x1xi32> to vector<8x1xi32>
    %broadcast_in_dim3A_24 = vector.broadcast %broadcast_in_dim3A_23 : vector<8x1xi32> to vector<8x128xi32>
    %swap3A_25 = arith.constant 0 : index
    %swap3A_26 = arith.constant 0 : index
    %swap3A_27 = vector.load %arg3[%swap3A_25, %swap3A_26] : memref<8x128xi32, #tpu.memory_space<vmem>>, vector<8x128xi32>
    tpu.vector_store %arg3[%swap3A_25, %swap3A_26], %broadcast_in_dim3A_24 {strides = array<i32>} : memref<8x128xi32, #tpu.memory_space<vmem>>, vector<8x128xi32>,
    return
  }
  func.func @transform_0(%arg0: i32) -> (i32, i32, i32) {
    %c0_i32 = arith.constant 0 : i32
    %c0_i32_0 = arith.constant 0 : i32
    %c0_i32_1 = arith.constant 0 : i32
    %c0_i32_2 = arith.constant 0 : i32
    return %c0_i32, %c0_i32_0, %c0_i32_1 : i32, i32, i32
  }
  func.func @transform_1(%arg0: i32) -> (i32, i32) {
    %c0_i32 = arith.constant 0 : i32
    %c0_i32_0 = arith.constant 0 : i32
    %c0_i32_1 = arith.constant 0 : i32
    return %c0_i32, %c0_i32_0 : i32, i32
  }
  func.func @transform_2(%arg0: i32) -> (i32, i32) {
    %c0_i32 = arith.constant 0 : i32
    %c0_i32_0 = arith.constant 0 : i32
    %c0_i32_1 = arith.constant 0 : i32
    return %c0_i32, %c0_i32_0 : i32, i32
  }
}

module attributes {stable_mosaic.version = 14 : i64} {
  func.func @_norms_body(%arg0: i32, %arg1: i32, %arg2: memref<1x8x1024x128xf32, #tpu.memory_space<vmem>>, %arg3: memref<1x1x1024xf32, #tpu.memory_space<vmem>>) attributes {dimension_semantics = [#tpu.dimension_semantics<arbitrary>, #tpu.dimension_semantics<arbitrary>], iteration_bounds = array<i64: 8, 8>, scalar_prefetch = 0 : i64, scratch_operands = 0 : i64, tpu.core_type = #tpu.core_type<tc>, window_params = [{transform_indices = @transform_0, window_bounds = array<i64: 1, 8, 1024, 128>}, {transform_indices = @transform_1, window_bounds = array<i64: 1, 1, 1024>}]} {
    %get3A = arith.constant 0 : index
    %get3A_0 = arith.constant 0 : index
    %get3A_1 = arith.constant 0 : index
    %get3A_2 = arith.constant 0 : index
    %get3A_3 = vector.load %arg2[%get3A, %get3A_0, %get3A_1, %get3A_2] : memref<1x8x1024x128xf32, #tpu.memory_space<vmem>>, vector<1x8x1024x128xf32>
    %get3A_4 = vector.shape_cast %get3A_3 : vector<1x8x1024x128xf32> to vector<8x1024x128xf32>
    %reshape3A = vector.shape_cast %get3A_4 : vector<8x1024x128xf32> to vector<8192x128xf32>
    %mul3A = arith.mulf %reshape3A, %reshape3A : vector<8192x128xf32>
    %transpose3A = tpu.transpose %mul3A, [1, 0] : vector<8192x128xf32> -> vector<128x8192xf32>
    %reduce_sum3A = arith.constant dense<0.000000e+00> : vector<8192xf32>
    %reduce_sum3A_5 = vector.multi_reduction <add>, %transpose3A, %reduce_sum3A [0] : vector<128x8192xf32> to vector<8192xf32>
    %sqrt3A = math.sqrt %reduce_sum3A_5 : vector<8192xf32>
    %slice3A = vector.extract_strided_slice %sqrt3A {offsets = [0], sizes = [1024], strides = [1]} : vector<8192xf32> to vector<1024xf32>
    %slice3A_6 = vector.extract_strided_slice %sqrt3A {offsets = [1024], sizes = [1024], strides = [1]} : vector<8192xf32> to vector<1024xf32>
    %add3A = arith.addf %slice3A, %slice3A_6 : vector<1024xf32>
    %slice3A_7 = vector.extract_strided_slice %sqrt3A {offsets = [2048], sizes = [1024], strides = [1]} : vector<8192xf32> to vector<1024xf32>
    %add3A_8 = arith.addf %add3A, %slice3A_7 : vector<1024xf32>
    %slice3A_9 = vector.extract_strided_slice %sqrt3A {offsets = [3072], sizes = [1024], strides = [1]} : vector<8192xf32> to vector<1024xf32>
    %add3A_10 = arith.addf %add3A_8, %slice3A_9 : vector<1024xf32>
    %slice3A_11 = vector.extract_strided_slice %sqrt3A {offsets = [4096], sizes = [1024], strides = [1]} : vector<8192xf32> to vector<1024xf32>
    %add3A_12 = arith.addf %add3A_10, %slice3A_11 : vector<1024xf32>
    %slice3A_13 = vector.extract_strided_slice %sqrt3A {offsets = [5120], sizes = [1024], strides = [1]} : vector<8192xf32> to vector<1024xf32>
    %add3A_14 = arith.addf %add3A_12, %slice3A_13 : vector<1024xf32>
    %slice3A_15 = vector.extract_strided_slice %sqrt3A {offsets = [6144], sizes = [1024], strides = [1]} : vector<8192xf32> to vector<1024xf32>
    %add3A_16 = arith.addf %add3A_14, %slice3A_15 : vector<1024xf32>
    %slice3A_17 = vector.extract_strided_slice %sqrt3A {offsets = [7168], sizes = [1024], strides = [1]} : vector<8192xf32> to vector<1024xf32>
    %add3A_18 = arith.addf %add3A_16, %slice3A_17 : vector<1024xf32>
    %mul3A_19 = arith.constant 1.250000e-01 : f32
    %mul3A_20 = vector.broadcast %mul3A_19 : f32 to vector<1024xf32>
    %mul3A_21 = arith.mulf %add3A_18, %mul3A_20 : vector<1024xf32>
    %swap3A = arith.constant 0 : index
    %swap3A_22 = arith.constant 0 : index
    %swap3A_23 = arith.constant 0 : index
    %swap3A_24 = vector.load %arg3[%swap3A, %swap3A_22, %swap3A_23] : memref<1x1x1024xf32, #tpu.memory_space<vmem>>, vector<1x1x1024xf32>
    %swap3A_25 = vector.shape_cast %swap3A_24 : vector<1x1x1024xf32> to vector<1024xf32>
    %swap3A_26 = vector.shape_cast %mul3A_21 : vector<1024xf32> to vector<1x1x1024xf32>
    tpu.vector_store %arg3[%swap3A, %swap3A_22, %swap3A_23], %swap3A_26 {strides = array<i32>} : memref<1x1x1024xf32, #tpu.memory_space<vmem>>, vector<1x1x1024xf32>,
    return
  }
  func.func @transform_0(%arg0: i32, %arg1: i32) -> (i32, i32, i32, i32) {
    %c0_i32 = arith.constant 0 : i32
    %c0_i32_0 = arith.constant 0 : i32
    %c0_i32_1 = arith.constant 0 : i32
    return %arg0, %c0_i32, %arg1, %c0_i32_0 : i32, i32, i32, i32
  }
  func.func @transform_1(%arg0: i32, %arg1: i32) -> (i32, i32, i32) {
    %c0_i32 = arith.constant 0 : i32
    %c0_i32_0 = arith.constant 0 : i32
    return %arg0, %c0_i32, %arg1 : i32, i32, i32
  }
}

</mosaic_0001>

<sc_bundles>
// kernel: kernel.5.cloned.1.call-start
scs
__scs_entry_jumppad:
0x0: {  	(pc) =	sbr.rel $0x88, $3  }
0x1: {  	(tag) =	ssettag $0x0;
	lr =	simm.s32 $0x1  }
0x2: {  	[smem:$0x3F9F] =	sst lr;
	_ =	strace $0xD0000000  }
0x3: {  	_ = 	snop  }
0x4: {  	_ = 	snop  }
0x5: {  	_ = 	snop  }
0x6: {  	_ = 	snop  }
0x7: {  	_ = 	snop  }
__scs_overlays_trampoline_lowered:
0x8: {  	[smem:$0x3FAE] =	sst s0  }
0x9: {  	[smem:$0x3FAF] =	sst s1  }
0xa: {  	[smem:$0x3FB0] =	sst s2  }
0xb: {  	[smem:$0x3FB1] =	sst s3  }
0xc: {  	[smem:$0x3FB2] =	sst s4  }
0xd: {  	[smem:$0x3FB3] =	sst s5  }
0xe: {  	[smem:$0x3FB4] =	sst s6  }
0xf: {  	[smem:$0x3FB5] =	sst s7  }
0x10: {  	[smem:$0x3FB6] =	sst s8  }
0x11: {  	[smem:$0x3FB7] =	sst s9;
	s0 =	simm.s32 @!p0 $0x0  }
0x12: {  	s1 =	sld [smem:$0x3F9D];
	s0 =	simm.s32 @p0 $0x1  }
0x13: {  	[smem:$0x3FB8] =	sst s0;
	s0 =	simm.s32 @!p1 $0x0  }
0x14: {  	s2 =	sld [smem:$0x3F9C];
	s0 =	simm.s32 @p1 $0x1  }
0x15: {  	[smem:$0x3FB9] =	sst s0;
	s0 =	simm.s32 @!p2 $0x0  }
0x16: {  	s3 =	sld [smem:$0x3FDB];
	s0 =	simm.s32 @p2 $0x1  }
0x17: {  	s4 =	simm.s32 $0x1BF5;
	[smem:$0x3FBB] =	sst s0  }
0x18: {  	s0 =	sld [smem:$0x3F9E];
	_ =	swait.ge [sflag:s4], $0x0  }
0x19: {  	s7 =	sld [smem:$0x3F9F]  }
0x1a: {  	s8 =	sadd.s32 $0xFFFFE003, lr  }
0x1b: {  	s9 =	sadd.s32 $0xFFFFFEF7, lr;
	s5 =	simm.s32 $0xFFFFFFFF;
	p2 =	slt.u32 s8, $0xFFFFF086  }
0x1c: {  	p1 =	slt.u32 s9, $0xF7A;
	s5 =	simm.s32 @!p2 $0x0  }
0x1d: {  	s5 =	simm.s32 @p1 $0x1;
	p0 =	seq.s32 s7, s2  }
0x1e: {  	s7 =	smul.u32 @!p0 $0xF7A, s2;
	p2 =	seq.s32 @!p0 s5, $0x0  }
0x1f: {  	s9 =	smul.u32 $0xF7A, s1;
	s8 =	simm.s32 @!p0 $0x1BF5;
	p2 =	por !p2, p0  }
0x20: {  	[sflag:s8] =	ssyncset.s32 @!p0 $0xFFFFF086;
	s6 =	sadd.s32 @!p0 s3, s7;
	s7 =	simm.s32 @!p0 $0x108  }
0x21: {  	s3 =	sadd.s32 s3, s9;
	s6 =	sadd.s32 @!p0 $0x88, s6;
	s7 =	simm.s32 @p2 $0x1082  }
0x22: {  	[simem:s7], [sflag:s8] =	dma.local @!p0 [hbm:s6], $0xF7A  }
0x23: {  	s9 =	sor.u32 $0xD0000000, s2;
	s6 =	simm.s32 $0x108;
	_ =	swait.ge @!p0 [sflag:s8], $0x0  }
0x24: {  	s3 =	sadd.s32 $0x88, s3;
	s6 =	simm.s32 @!p1 $0x1082;
	[sflag:s4] =	ssyncset.s32 $0xFFFFF086  }
0x25: {  	[simem:s6], [sflag:s4] =	dma.local [hbm:s3], $0xF7A  }
0x26: {  	[smem:$0x3F9F] =	sst s1;
	(tag) =	ssettag s2;
	_ =	strace s9  }
0x27: {  	s1 =	sld [smem:$0x3FAF]  }
0x28: {  	s2 =	sld [smem:$0x3FB0]  }
0x29: {  	s4 =	sld [smem:$0x3FB2]  }
0x2a: {  	p0 =	seq.s32 s5, $0x0;
	s5 =	sld [smem:$0x3FB3]  }
0x2b: {  	s6 =	sld [smem:$0x3FB4]  }
0x2c: {  	s7 =	sld [smem:$0x3FB5]  }
0x2d: {  	s3 =	simm.s32 $0x108;
	s8 =	sld [smem:$0x3FB6]  }
0x2e: {  	s3 =	simm.s32 @!p0 $0x1082;
	s9 =	sld [smem:$0x3FB7]  }
0x2f: {  	lr =	sadd.s32 s0, s3;
	s0 =	sld [smem:$0x3FAE]  }
0x30: {  	s3 =	sld [smem:$0x3FB1]  }
0x31: {  	[smem:$0x3FBA] =	sst s10  }
0x32: {  	s10 =	sld [smem:$0x3FB8];
	_ =	sdelay $0x3  }
0x33: {  	p0 =	seq.s32 s10, $0x1;
	s10 =	sld [smem:$0x3FBA];
	_ =	sdelay $0x3  }
0x34: {  	[smem:$0x3FBA] =	sst s10  }
0x35: {  	s10 =	sld [smem:$0x3FB9];
	_ =	sdelay $0x3  }
0x36: {  	p1 =	seq.s32 s10, $0x1;
	s10 =	sld [smem:$0x3FBA];
	_ =	sdelay $0x3  }
0x37: {  	[smem:$0x3FBA] =	sst s10  }
0x38: {  	s10 =	sld [smem:$0x3FBB]  }
0x39: {  	_ = 	snop;
	(pc) =	sbr.ind lr, $3  }
0x3a: {  	_ = 	snop  }
0x3b: {  	_ = 	snop  }
0x3c: {  	p2 =	seq.s32 s10, $0x1;
	s10 =	sld [smem:$0x3FBA]  }
0x3d: {  	_ =	shalt  }
0x3e: {  	_ =	shalt  }
0x3f: {  	_ =	shalt  }
0x40: {  	_ =	shalt  }
0x41: {  	_ =	shalt  }
0x42: {  	_ =	shalt  }
0x43: {  	_ =	shalt  }
0x44: {  	_ =	shalt  }
0x45: {  	_ =	shalt  }
0x46: {  	_ =	shalt  }
0x47: {  	_ =	shalt  }
0x48: {  	_ =	shalt  }
0x49: {  	_ =	shalt  }
0x4a: {  	_ =	shalt  }
0x4b: {  	_ =	shalt  }
0x4c: {  	_ =	shalt  }
0x4d: {  	_ =	shalt  }
0x4e: {  	_ =	shalt  }
0x4f: {  	_ =	shalt  }
0x50: {  	_ =	shalt  }
0x51: {  	_ =	shalt  }
0x52: {  	_ =	shalt  }
0x53: {  	_ =	shalt  }
0x54: {  	_ =	shalt  }
0x55: {  	_ =	shalt  }
0x56: {  	_ =	shalt  }
0x57: {  	_ =	shalt  }
0x58: {  	_ =	shalt  }
0x59: {  	_ =	shalt  }
0x5a: {  	_ =	shalt  }
0x5b: {  	_ =	shalt  }
0x5c: {  	_ =	shalt  }
0x5d: {  	_ =	shalt  }
0x5e: {  	_ =	shalt  }
0x5f: {  	_ =	shalt  }
0x60: {  	_ =	shalt  }
0x61: {  	_ =	shalt  }
0x62: {  	_ =	shalt  }
0x63: {  	_ =	shalt  }
0x64: {  	_ =	shalt  }
0x65: {  	_ =	shalt  }
0x66: {  	_ =	shalt  }
0x67: {  	_ =	shalt  }
0x68: {  	_ =	shalt  }
0x69: {  	_ =	shalt  }
0x6a: {  	_ =	shalt  }
0x6b: {  	_ =	shalt  }
0x6c: {  	_ =	shalt  }
0x6d: {  	_ =	shalt  }
0x6e: {  	_ =	shalt  }
0x6f: {  	_ =	shalt  }
0x70: {  	_ =	shalt  }
0x71: {  	_ =	shalt  }
0x72: {  	_ =	shalt  }
0x73: {  	_ =	shalt  }
0x74: {  	_ =	shalt  }
0x75: {  	_ =	shalt  }
0x76: {  	_ =	shalt  }
0x77: {  	_ =	shalt  }
0x78: {  	_ =	shalt  }
0x79: {  	_ =	shalt  }
0x7a: {  	_ =	shalt  }
0x7b: {  	_ =	shalt  }
0x7c: {  	_ =	shalt  }
0x7d: {  	_ =	shalt  }
0x7e: {  	_ =	shalt  }
0x7f: {  	_ =	shalt  }
0x80: {  	_ =	shalt  }
0x81: {  	_ =	shalt  }
0x82: {  	_ =	shalt  }
0x83: {  	_ =	shalt  }
0x84: {  	_ =	shalt  }
0x85: {  	_ =	shalt  }
0x86: {  	_ =	shalt  }
0x87: {  	_ =	shalt  }
.Lfunc_end0:
.L_simem_size_0:
called_computation_lowered:
.L_overlay_start_0:
0x88: {  	s2 =	sld [smem:$0x3FD9]  }
0x89: {  	s3 =	sld [smem:$0x3FFE];
	_ =	sdelay $0x1  }
0x8a: {  	s1 =	srdreg.scid  }
0x8b: {  	s0 =	sand.u32 $0x1, s1  }
0x8c: {  	s14 =	sshll.u32 s0, $0xA;
	s2 =	sadd.s32 s3, s2  }
0x8d: {  	s2 =	sadd.s32 s2, s14  }
0x8e: {  	[smem:$0x3FC6] =	sst s2  }
0x8f: {  	_ = 	snop  }
0x90: {  	s2 =	sld [smem:$0x3FD0];
	_ =	sdelay $0x1  }
0x91: {  	s15 =	sld [smem:$0x3FC9]  }
0x92: {  	s5 =	simm.s32 $0xA;
	s6 =	simm.s32 $0x10;
	s4 =	sld [smem:$0x3FC8]  }
0x93: {  	[smem:s6], [sflag:s5] =	dma.local [hbm:s2], $0x1  }
0x94: {  	_ =	swait.eq [sflag:s5], $0x1  }
0x95: {  	[sflag:s5] =	ssyncset.done $0x0  }
0x96: {  	s16 =	sld [smem:$0x10];
	[sflag:s5] =	ssyncadd.s32 $0xFFFFFFFF  }
0x97: {  	s17 =	sld [smem:$0x11];
	(tm) =	ssettm $0x1  }
0x98: {  	s18 =	sld [smem:$0x3FFB];
	_ =	sdelay $0x3  }
0x99: {  	_ =	strace s18  }
0x9a: {  	s6 =	sld [smem:$0x3FFC];
	_ =	sdelay $0x3  }
0x9b: {  	_ =	strace s6  }
0x9c: {  	s6 =	sld [smem:$0x3FFD];
	_ =	sdelay $0x3  }
0x9d: {  	_ =	strace s6  }
0x9e: {  	_ =	strace $0x8FFFFFFF  }
0x9f: {  	s19 =	sld [smem:$0x3FDB];
	_ =	sdelay $0x1  }
0xa0: {  	s7 =	simm.s32 $_scs_section_size  }
0xa1: {  	s8 =	simm.s32 $_size__tile_overlayer_lowered;
	s9 =	simm.s32 $_tile_overlayer_lowered  }
0xa2: {  	s22 =	simm.s32 $0x1BFF;
	s21 =	sshll.u32 s9, $0x1;
	s6 =	sadd.s32 s7, s19  }
0xa3: {  	s10 =	simm.s32 $0x0;
	s20 =	sshll.u32 s8, $0x1;
	s8 =	sadd.s32 s21, s6  }
0xa4: {  	[timem:s10], [sflag:s22] =	dma.local [hbm:s8], s20  }
0xa5: {  	_ =	swait.ge [sflag:s22], s20  }
0xa6: {  	s7 =	ssub.s32 $0x0, s20;
	[sflag:s22] =	ssyncset.done $0x0  }
0xa7: {  	[sflag:s22] =	ssyncadd.s32 s7;
	_ =	sdelay $0x1  }
0xa8: {  	s23 =	simm.s32 $0x1B8B  }
0xa9: {  	_ =	swait.ge [sflag:s23], $0x1  }
0xaa: {  	[sflag:s23] =	ssyncset.done $0x0  }
0xab: {  	s25 =	simm.s32 $0x1B8E;
	s24 =	sld [smem:$0x3FFE];
	[sflag:s23] =	ssyncadd.s32 $0xFFFFFFFF  }
0xac: {  	s26 =	simm.s32 $execute0_lowered;
	[smem:$0x3FD2] =	sst s25  }
0xad: {  	s8 =	sshll.u32 s26, $0x1;
	_ =	strace $0x80000046;
	[dreg:$0x1] =	wrdreg $0xFFFFFFFF  }
0xae: {  	s28 =	simm.s32 $_size_execute0_lowered;
	s6 =	sadd.s32 s6, s8;
	[dreg:$0x0] =	wrdreg $0x0  }
0xaf: {  	s8 =	sshll.u32 s28, $0x1;
	[dreg:$0x2] =	wrdreg s6  }
0xb0: {  	[dreg:$0x3] =	wrdreg s8  }
0xb1: {  	[dreg:$0x4] =	wrdreg $0xC0  }
0xb2: {  	_ =	task [dreg:s10], $0x5FFFF  }
0xb3: {  	[dreg:$0x1] =	wrdreg $0xFFFFFFFF  }
0xb4: {  	[dreg:$0x0] =	wrdreg $0x60  }
0xb5: {  	[dreg:$0x2] =	wrdreg s15  }
0xb6: {  	[dreg:$0x3] =	wrdreg s4  }
0xb7: {  	[dreg:$0x4] =	wrdreg s24  }
0xb8: {  	[dreg:$0x5] =	wrdreg s16  }
0xb9: {  	[dreg:$0x6] =	wrdreg s17  }
0xba: {  	[dreg:$0x7] =	wrdreg $0x9  }
0xbb: {  	_ =	task.clear_ibuf [dreg:s10], $0x8FFFF;
	_ =	strace $0x90000046  }
0xbc: {  	s29 =	simm.s32 $0x9;
	_ =	strace $0x80000048  }
0xbd: {  	_ =	swait.ge [sflag:s29], $0x1  }
0xbe: {  	[sflag:s29] =	ssyncadd.s32 $0xFFFFFFFF  }
0xbf: {  	_ =	strace $0x90000048  }
0xc0: {  	_ =	sfence  }
0xc1: {  	s30 =	sld [smem:$0x0];
	_ =	sdelay $0x2  }
0xc2: {  	s31 =	sshll.u32 s1, $0xD;
	s1 =	sshrl.u32 s1, $0x2  }
0xc3: {  	s3 =	sand.u32 $0x4000, s31;
	s1 =	sadd.s32 s1, s30  }
0xc4: {  	s0 =	sor.u32 s3, s0;
	s1 =	sshll.u32 s1, $0x11  }
0xc5: {  	s0 =	sor.u32 s1, s0  }
0xc6: {  	s0 =	sadd.s32 $0x8F2B, s0  }
0xc7: {  	[sflag:s0] =	ssyncadd.remote.s32 $0x1  }
0xc8: {  	_ =	sfence.sel $0xFFFF  }
0xc9: {  	[dreg:$0x0] =	wrdreg $0xFFFFFFFF;
	(pc) =	sbr.abs _section_cstart, $3  }
0xca: {  	[dreg:$0x1] =	wrdreg $0xFFFFFFFF  }
0xcb: {  	_ =	task.clear_ibuf [dreg:s10], $0x2FFFF;
	_ =	strace $0x9FFFFFFF  }
0xcc: {  	(tm) =	ssettm $0x7FFFFFFF  }
0xcd: {  	_ =	shalt  }
tec
execute0_lowered:
.L_overlay_start_1:
0x0: {  	(tag) =	ssettag $0x1  }
0x1: {  	s1 =	rddreg [dreg:$0x0]  }
0x2: {  	s3 =	rddreg [dreg:$0x1]  }
0x3: {  	s5 =	rddreg [dreg:$0x2]  }
0x4: {  	s2 =	rddreg [dreg:$0x3]  }
0x5: {  	s0 =	rddreg [dreg:$0x4]  }
0x6: {  	s18 =	stileid.u32;
	s6 =	srdreg.scid  }
0x7: {  	s4 =	simm.s32 $0x0;
	s15 =	simm.s32 $0x1;
	s28 =	simm.s32 $0x80  }
0x8: {  	s29 =	simm.s32 $0x3480;
	s30 =	simm.s32 $0x7480;
	s7 =	sshll.u32 s18, $0x1  }
0x9: {  	s6 =	sand.u32 $0x1, s6;
	[smem:$0x7FF] =	sst s4;
	s24 =	sand.u32 $0x1, s18  }
0xa: {  	s8 =	sshrl.u32 s18, $0x1;
	s7 =	sand.u32 $0x2, s7;
	s25 =	smul.u32 $0xD00, s24  }
0xb: {  	_ =	strace $0x80000047;
	s17 =	sshll.u32 s8, $0xA;
	s18 =	smul.u32 $0xD0000, s24  }
0xc: {  	s10 =	sshll.u32 s8, $0x4;
	s11 =	ssub.s32 $0x2, s6;
	s26 =	smul.u32 $0x68000, s6  }
0xd: {  	s9 =	sor.u32 s6, s7;
	s7 =	sadd.s32 s17, s5;
	s5 =	sadd.s32 s10, s5  }
0xe: {  	s19 =	sshrl.u32 s11, $0x1;
	s21 =	smul.u32 $0x1A, s9;
	s7 =	sadd.s32 $0x1000, s7  }
0xf: {  	s14 =	ssub.s32 s11, s19;
	s20 =	sadd.s32 $0x3000, s5;
	[dreg:$0x7] =	wrdreg s7  }
0x10: {  	s5 =	sadd.s32 $0x3200, s5;
	s9 =	smul.u32 $0xFFFFCC00, s9;
	[dreg:$0x8] =	wrdreg s20  }
0x11: {  	[dreg:$0x9] =	wrdreg s5;
	s20 =	smul.u32 $0x680, s6;
	s14 =	smax.u32 s14, $0x1  }
0x12: {  	s31 =	simm.s32 $0x2;
	s6 =	smul.u32 $0x1A0, s6;
	[dreg:$0xe] =	wrdreg s14  }
0x13: {  	s12 =	smin.u32 s21, $0x4D;
	s9 =	sshra.s32 s9, $0x2;
	[dreg:$0x6] =	wrdreg s21  }
0x14: {  	s7 =	sadd.s32 $0x1A, s12;
	s12 =	sshll.u32 s8, $0x10;
	s8 =	smul.u32 $0x199800, s8  }
0x15: {  	s20 =	sadd.s32 s20, s25;
	s22 =	smin.u32 s7, $0x66;
	s16 =	sor.u32 $0x2000, s12  }
0x16: {  	s17 =	sor.u32 $0x4000, s12;
	s5 =	sor.u32 $0x6000, s12;
	p2 =	sne.s32 s7, $0x67  }
0x17: {  	s23 =	ssub.s32 s22, s21;
	p0 =	sne.s32 s22, s21;
	s10 =	sand.u32 $0x1, s22  }
0x18: {  	s19 =	sshrl.u32 s8, $0x3;
	s8 =	sadd.s32 s18, s8;
	s18 =	sadd.s32 $0x5A80, s9  }
0x19: {  	s9 =	sshrl.u32 s20, $0x2;
	s13 =	sand.u32 $0x80, s23;
	s11 =	sshra.s32 s23, $0x1F  }
0x1a: {  	s15 =	simm.s32 @!p0 $0x0;
	p1 =	seq.s32 s10, $0x1;
	s10 =	simm.s32 $0x1  }
0x1b: {  	s19 =	sadd.s32 $0x33000, s19;
	s8 =	sadd.s32 s26, s8;
	s20 =	sadd.s32 $0x2100, s9  }
0x1c: {  	s13 =	sshrl.u32 s13, $0x7;
	s11 =	sor.u32 s15, s11;
	s22 =	sadd.s32 s2, s19  }
0x1d: {  	s26 =	sshrl.u32 s8, $0x3;
	s15 =	sor.u32 $0xA000, s12;
	s13 =	sadd.s32 s13, s23  }
0x1e: {  	p6 =	sne.s32 s11, $0x1;
	s11 =	smul.u32 $0x340, s24;
	[dreg:$0xa] =	wrdreg s22  }
0x1f: {  	s23 =	sadd.s32 s0, s19;
	s19 =	sadd.s32 s26, s0;
	s22 =	simm.s32 $0x5  }
0x20: {  	s13 =	sshll.u32 s13, $0x18;
	p0 =	por !p6, !p1;
	[dreg:$0xb] =	wrdreg s23  }
0x21: {  	s23 =	sor.u32 $0xC000, s12;
	p0 =	por !p0, !p0;
	s13 =	sshra.s32 s13, $0x19  }
0x22: {  	v7 =	vmov s23;
	s23 =	simm.s32 $0x0;
	s10 =	simm.s32 @!p0 $0x0;
	p0 =	sge.u32 s21, s7  }
0x23: {  	v3 =	vlaneseq.u32;
	s21 =	simm.s32 $0x1;
	s10 =	ssub.s32 s13, s10;
	s13 =	sadd.s32 $0x4000, s8  }
.Ltmp0:
0x24: {  	v10 =	vmul.u32 $0xFFFFFFFF, v3;
	s8 =	sor.u32 $0x8000, s12;
	s24 =	sshrl.u32 s13, $0x3;
	(pc) =	sbr.rel .LBB2_1-.Ltmp0, $4  }
0x25: {  	v9 =	vimm.s32 $0x0;
	s13 =	sadd.s32 s6, s11;
	p1 =	slt.s32 s10, $0x1;
	s25 =	sadd.s32 s24, s2  }
0x26: {  	v11 =	vmul.u32 $0x8, v3;
	v10 =	vadd.s32 $0x666, v10;
	v0 =	vmov s12;
	s2 =	sadd.s32 s26, s2;
	s11 =	sadd.s32 s24, s0;
	s24 =	sor.u32 $0xE000, s12  }
0x27: {  	v1 =	vmov s16;
	v2 =	vmov s17;
	v4 =	vmov s5;
	s26 =	simm.s32 $0x2780;
	s0 =	simm.s32 $0x3;
	[dreg:$0xc] =	wrdreg s25  }
0x28: {  	v6 =	vmov s15;
	v5 =	vmov s8;
	[dreg:$0xd] =	wrdreg s2;
	s25 =	simm.s32 $0x2100;
	v8 =	vmov s24;
	s2 =	simm.s32 $0x4  }
.LBB2_22:
0x29: {  	s17 =	smov.u32 s19;
	s16 =	smov.u32 s11  }
.LBB2_25:
0x2a: {  	s14 =	sadd.s32 $0xFFFFFF80, s12;
	[sflag:s2] =	ssyncadd.s32 @p3 $0xFFFFC000  }
0x2b: {  	[tilespmem:s29], [sflag:$0x1] =	stream.indirect.gather [hbm4b:s3+s28], $0x80, s14, s28, $0xb8;
	[tilespmem:$0xB480] =	vst v63  }
0x2c: {  	_ = 	snop  }
0x2d: {  	[tilespmem:s30], [sflag:$0x2] =	stream.indirect.gather [hbm4b:s3+s28], $0x80, s12, s28, $0xb8;
	[tilespmem:$0xB480] =	vst v63  }
0x2e: {  	_ =	swait.ge [sflag:s21], $0x4000  }
0x2f: {  	[sflag:s21] =	ssyncset.done $0x0  }
0x30: {  	[sflag:s21] =	ssyncadd.s32 $0xFFFFC000  }
0x31: {  	[hbm4b:s17+s4] =	stream.linear.scatter [tilespmem:s29], [sflag:$0x3], $0x4000, $0x38;
	[tilespmem:$0xB480] =	vst v63  }
0x32: {  	_ =	swait.ge [sflag:s31], $0x4000  }
0x33: {  	[sflag:s31] =	ssyncset.done $0x0  }
0x34: {  	[sflag:s31] =	ssyncadd.s32 $0xFFFFC000  }
0x35: {  	[hbm4b:s16+s4] =	stream.linear.scatter [tilespmem:s30], [sflag:$0x4], $0x4000, $0x38;
	[tilespmem:$0xB480] =	vst v63  }
0x36: {  	_ =	swait.ge [sflag:s0], $0x4000  }
0x37: {  	[sflag:s0] =	ssyncset.done $0x0  }
0x38: {  	[sflag:s0] =	ssyncadd.s32 $0xFFFFC000  }
0x39: {  	_ =	swait.ge [sflag:s2], $0x4000  }
0x3a: {  	[sflag:s2] =	ssyncset.done $0x0  }
0x3b: {  	[sflag:s2] =	ssyncadd.s32 $0xFFFFC000  }
.LBB2_26:
0x3c: {  	[tilespmem:s24], [sflag:$0x1] =	stream.indirect.gather @!p2 [hbm4b:s3+s5], $0x80, s18, s5, $0xb8;
	[tilespmem:$0xB480] =	vst v63  }
0x3d: {  	_ =	swait.ge @!p2 [sflag:s6], $0x1800  }
0x3e: {  	[sflag:s6] =	ssyncset.done @!p2 $0x0  }
0x3f: {  	s5 =	rddreg [dreg:$0xb];
	[sflag:s6] =	ssyncadd.s32 @!p2 $0xFFFFE800  }
0x40: {  	[hbm4b:s5+s9] =	stream.linear.scatter @!p2 [tilespmem:s24], [sflag:$0x5], $0x1800, $0x38;
	[tilespmem:$0xB480] =	vst v63  }
0x41: {  	_ =	swait.ge @!p2 [sflag:s8], $0x1800  }
0x42: {  	s23 =	sadd.s32 $0x1, s23;
	s24 =	rddreg [dreg:$0xe]  }
0x43: {  	p3 =	sne.s32 s23, s24  }
.Ltmp1:
0x44: {  	_ = 	snop;
	(pc) =	sbr.rel @!p3 .LBB2_27-.Ltmp1, $3  }
0x45: {  	_ =	sdelay $0x1  }
0x46: {  	[sflag:s8] =	ssyncset.done @!p2 $0x0  }
0x47: {  	[sflag:s8] =	ssyncadd.s32 @!p2 $0xFFFFE800  }
.LBB2_1:
0x48: {  	s5 =	rddreg [dreg:$0x7]  }
0x49: {  	[tilespmem:s4], [sflag:$0x5] =	stream.linear.gather [hbm4b:s5+s4], $0x2000, $0x38;
	[tilespmem:$0xB480] =	vst v63  }
0x4a: {  	_ =	swait.ge [sflag:s22], $0x2000  }
0x4b: {  	[sflag:s22] =	ssyncset.done $0x0  }
0x4c: {  	s6 =	simm.s32 $0x2000;
	s16 =	rddreg [dreg:$0x8];
	[sflag:s22] =	ssyncadd.s32 $0xFFFFE000  }
0x4d: {  	[tilespmem:s6], [sflag:$0x5] =	stream.linear.gather [hbm4b:s16+s4], $0x80, $0x38;
	[tilespmem:$0xB480] =	vst v63  }
0x4e: {  	_ =	swait.ge [sflag:s22], $0x80  }
0x4f: {  	[sflag:s22] =	ssyncset.done $0x0  }
0x50: {  	s24 =	simm.s32 $0x2080;
	s17 =	rddreg [dreg:$0x9];
	[sflag:s22] =	ssyncadd.s32 $0xFFFFFF80  }
0x51: {  	[tilespmem:s24], [sflag:$0x5] =	stream.linear.gather [hbm4b:s17+s4], $0x80, $0x38;
	[tilespmem:$0xB480] =	vst v63  }
0x52: {  	_ =	swait.ge [sflag:s22], $0x80  }
0x53: {  	[sflag:s22] =	ssyncset.done $0x0  }
0x54: {  	[sflag:s22] =	ssyncadd.s32 $0xFFFFFF80  }
0x55: {  	v12 =	vld [tilespmem:$0x2000]  }
0x56: {  	v13 =	vld [tilespmem:$0x2080]  }
0x57: {  	v15 =	vimm.s32 $0x0;
	v14 =	vimm.s32 $0x0;
	s8 =	simm.s32 $0x0;
	s5 =	simm.s32 $0x0;
	s6 =	simm.s32 $0x10;
	v16 =	vld [tilespmem:s4+$0x0]  }
.LBB2_2:
0x58: {  	p3 =	sne.s32 s6, $0x1FF0;
	_ =	sdelay $0x3  }
0x59: {  	vm0 =	vge.f32 v16, v12  }
0x5a: {  	v16 =	vsel vm0, $0x1, v9;
	v17 =	vmpcnt.ones.xlane vm0  }
0x5b: {  	(xrf0) =	vadd.scan.msk.s32 $0xffff, v16  }
0x5c: {  	v15 =	vadd.s32 v15, v17;
	_ =	sdelay $0x4  }
0x5d: {  	v16, _, _ =	vpop (xrf0)  }
0x5e: {  	v16 =	vadd.s32 v16, v14;
	v14 =	vmov v15  }
0x5f: {  	v16 =	vadd.s32 $0xFFFFFFFF, v16  }
0x60: {  	vm1 =	vlt.s32 v16, $0x66F  }
0x61: {  	v16 =	vnsel vm1, $0x66F, v16;
	_ =	sdelay $0x1  }
.Ltmp2:
0x62: {  	(pc) =	sbr.rel @p3 .LBB2_2-.Ltmp2, $4  }
0x63: {  	_ = 	snop  }
0x64: {  	v17 =	vor.u32 s5, v3;
	s5 =	smov.u32 s6  }
0x65: {  	s8 =	sadd.s32 $0x10, s8;
	[tilespmem:v16+s25+$0x0] =	vst.idx.msk vm0, v17  }
0x66: {  	s6 =	sadd.s32 $0x10, s6;
	v16 =	vld [tilespmem:s8+$0x0]  }
0x67: {  	_ =	sdelay $0x3  }
0x68: {  	vm0 =	vge.f32 v16, v12  }
0x69: {  	v16 =	vmpcnt.ones.xlane vm0;
	_ =	sdelay $0x1  }
0x6a: {  	v17 =	vsel vm0, $0x1, v9;
	v15 =	vadd.s32 v15, v16  }
0x6b: {  	(xrf0) =	vadd.scan.msk.s32 $0xffff, v17;
	v15 =	vxor.u32 $0x80000000, v15  }
0x6c: {  	(xrf0) =	vmax.scan.msk.u32 $0xffff, v15;
	_ =	sdelay $0x4  }
0x6d: {  	v15, _, _ =	vpop (xrf0)  }
0x6e: {  	v63, _, _ =	vpop (xrf0)  }
0x6f: {  	(v2sf) =	vpush v63, $0xF;
	_ =	sdelay $0xc  }
0x70: {  	v14 =	vadd.s32 v15, v14  }
0x71: {  	v14 =	vadd.s32 $0xFFFFFFFF, v14  }
0x72: {  	vm1 =	vlt.s32 v14, $0x66F;
	s6 =	spop (v2sf)  }
0x73: {  	v14 =	vnsel vm1, $0x66F, v14;
	p3 =	slt.u32 s6, $0x80000667  }
.Ltmp3:
0x74: {  	_ = 	snop;
	(pc) =	sbr.rel @p3 .LBB2_7-.Ltmp3, $3  }
0x75: {  	_ =	sdelay $0x1  }
0x76: {  	v15 =	vor.u32 s5, v3  }
0x77: {  	[tilespmem:v14+s25+$0x0] =	vst.idx.msk vm0, v15  }
0x78: {  	v15 =	vimm.s32 $0x0;
	s5 =	simm.s32 $0x0  }
0x79: {  	s6 =	simm.s32 $0x10;
	v16 =	vimm.s32 $0x0;
	v17 =	vimm.s32 $0x0;
	v14 =	vimm.s32 $0x0;
	s8 =	simm.s32 $0x0;
	v18 =	vld [tilespmem:s5+$0x0]  }
.LBB2_5:
0x7a: {  	p3 =	sne.s32 s6, $0x1FF0;
	_ =	sdelay $0x3  }
0x7b: {  	vm0 =	veq.f32 v18, v12  }
0x7c: {  	v19 =	vsel vm0, $0x1, v9;
	v20 =	vmpcnt.ones.xlane vm0  }
0x7d: {  	(xrf0) =	vadd.scan.msk.s32 $0xffff, v19  }
0x7e: {  	v15 =	vadd.s32 v15, v20;
	_ =	sdelay $0x3  }
0x7f: {  	v19 =	vsel vm0, $0xFFFFFFFF, v9  }
0x80: {  	v19 =	vadd.s32 v19, v16;
	v16 =	vmov v15;
	v20, _, _ =	vpop (xrf0)  }
0x81: {  	v19 =	vadd.s32 v20, v19  }
0x82: {  	vm1 =	vlt.s32 v19, v13  }
0x83: {  	vm2 =	vgt.f32 v18, v12;
	vm0 =	vmand vm0, vm1  }
0x84: {  	vm0 =	vmor vm2, vm0  }
0x85: {  	v18 =	vsel vm0, $0x1, v9;
	v19 =	vmpcnt.ones.xlane vm0  }
0x86: {  	(xrf0) =	vadd.scan.msk.s32 $0xffff, v18  }
0x87: {  	v17 =	vadd.s32 v17, v19;
	_ =	sdelay $0x4  }
0x88: {  	v18, _, _ =	vpop (xrf0)  }
0x89: {  	v18 =	vadd.s32 v18, v14;
	v14 =	vmov v17  }
0x8a: {  	v18 =	vadd.s32 $0xFFFFFFFF, v18;
	_ =	sdelay $0x1  }
.Ltmp4:
0x8b: {  	(pc) =	sbr.rel @p3 .LBB2_5-.Ltmp4, $4  }
0x8c: {  	_ = 	snop  }
0x8d: {  	v19 =	vor.u32 s5, v3;
	s5 =	smov.u32 s6  }
0x8e: {  	s8 =	sadd.s32 $0x10, s8;
	[tilespmem:v18+s25+$0x0] =	vst.idx.msk vm0, v19  }
0x8f: {  	s6 =	sadd.s32 $0x10, s6;
	v18 =	vld [tilespmem:s8+$0x0]  }
0x90: {  	_ =	sdelay $0x3  }
0x91: {  	vm0 =	veq.f32 v18, v12  }
0x92: {  	v15 =	vsel vm0, $0x1, v9  }
0x93: {  	(xrf0) =	vadd.scan.msk.s32 $0xffff, v15;
	_ =	sdelay $0x4  }
0x94: {  	v60 =	vsel vm0, $0xFFFFFFFF, v9  }
0x95: {  	v15 =	vadd.s32 v60, v16;
	v61, _, _ =	vpop (xrf0)  }
0x96: {  	v15 =	vadd.s32 v61, v15  }
0x97: {  	vm1 =	vlt.s32 v15, v13  }
0x98: {  	vm2 =	vgt.f32 v18, v12;
	vm0 =	vmand vm0, vm1  }
0x99: {  	vm0 =	vmor vm2, vm0  }
0x9a: {  	v62 =	vsel vm0, $0x1, v9  }
0x9b: {  	(xrf0) =	vadd.scan.msk.s32 $0xffff, v62;
	_ =	sdelay $0x5  }
0x9c: {  	v12, _, _ =	vpop (xrf0)  }
0x9d: {  	v12 =	vadd.s32 v12, v14  }
0x9e: {  	v12 =	vadd.s32 $0xFFFFFFFF, v12;
	_ =	sdelay $0x3  }
0x9f: {  	v63 =	vor.u32 s5, v3  }
0xa0: {  	[tilespmem:v12+s25+$0x0] =	vst.idx.msk vm0, v63  }
.LBB2_7:
.Ltmp5:
0xa1: {  	(pc) =	sbr.rel @p0 .LBB2_14-.Ltmp5, $2  }
0xa2: {  	_ =	sdelay $0x2  }
0xa3: {  	s5 =	simm.s32 $0x0  }
0xa4: {  	s6 =	rddreg [dreg:$0x6]  }
0xa5: {  	s6 =	sadd.s32 $0x1, s6  }
0xa6: {  	p4 =	slt.u32 s6, s7  }
.Ltmp6:
0xa7: {  	_ = 	snop;
	(pc) =	sbr.rel @!p4 .LBB2_9-.Ltmp6, $2  }
0xa8: {  	_ =	sdelay $0x2  }
0xa9: {  	s9 =	sadd.s32 s5, s13;
	p3 =	por $0x0, $0x0  }
0xaa: {  	v12 =	vmov s9;
	v13 =	vmov s5  }
0xab: {  	v14 =	vld [tilespmem:s20+$0x0];
	vm0 =	vlt.s32 v12, v10;
	v12 =	vshll.u32 v13, $0x3  }
0xac: {  	v12 =	vor.u32 v11, v12  }
0xad: {  	v13 =	vor.u32 $0x1, v12  }
0xae: {  	v15 =	vor.u32 $0x2, v12  }
0xaf: {  	v16 =	vor.u32 $0x3, v12  }
0xb0: {  	v18 =	vor.u32 $0x4, v12;
	v17 =	vadd.s32 v0, v14  }
0xb1: {  	s6 =	sadd.s32 $0x1, s6;
	v19 =	vor.u32 $0x5, v12;
	v62 =	vadd.s32 v1, v14;
	[tilespmem:v12+s26+$0x0] =	vst.idx.msk vm0, v17  }
0xb2: {  	p4 =	slt.u32 s6, s7;
	v63 =	vor.u32 $0x6, v12;
	[tilespmem:v13+s26+$0x0] =	vst.idx.msk vm0, v62;
	v13 =	vadd.s32 v2, v14  }
.Ltmp7:
0xb3: {  	v12 =	vor.u32 $0x7, v12;
	[tilespmem:v15+s26+$0x0] =	vst.idx.msk vm0, v13;
	v13 =	vadd.s32 v4, v14;
	(pc) =	sbr.rel @!p4 .LBB2_11-.Ltmp7, $4  }
0xb4: {  	[tilespmem:v16+s26+$0x0] =	vst.idx.msk vm0, v13;
	v13 =	vadd.s32 v5, v14  }
0xb5: {  	[tilespmem:v18+s26+$0x0] =	vst.idx.msk vm0, v13;
	v13 =	vadd.s32 v6, v14  }
0xb6: {  	s5 =	sadd.s32 $0x10, s5;
	[tilespmem:v19+s26+$0x0] =	vst.idx.msk vm0, v13;
	v13 =	vadd.s32 v7, v14  }
0xb7: {  	p3 =	por $0x1, $0x1;
	s8 =	smov.u32 s20;
	s9 =	sadd.s32 s5, s13;
	[tilespmem:v63+s26+$0x0] =	vst.idx.msk vm0, v13;
	v13 =	vadd.s32 v8, v14  }
.LBB2_12:
0xb8: {  	s6 =	sadd.s32 $0x1, s6;
	v14 =	vmov s9;
	v15 =	vmov s5;
	[tilespmem:v12+s26+$0x0] =	vst.idx.msk vm0, v13;
	s8 =	sadd.s32 $0x10, s8  }
0xb9: {  	p4 =	slt.u32 s6, s7;
	v13 =	vld [tilespmem:s8+$0x0];
	vm0 =	vlt.s32 v14, v10;
	v12 =	vshll.u32 v15, $0x3  }
0xba: {  	v12 =	vor.u32 v11, v12  }
0xbb: {  	v14 =	vor.u32 $0x1, v12  }
0xbc: {  	v15 =	vor.u32 $0x2, v12  }
0xbd: {  	v16 =	vor.u32 $0x3, v12  }
0xbe: {  	v18 =	vor.u32 $0x4, v12;
	v17 =	vadd.s32 v0, v13  }
0xbf: {  	v19 =	vor.u32 $0x5, v12;
	[tilespmem:v12+s26+$0x0] =	vst.idx.msk vm0, v17;
	v17 =	vadd.s32 v1, v13  }
0xc0: {  	[tilespmem:v14+s26+$0x0] =	vst.idx.msk vm0, v17;
	v14 =	vadd.s32 v2, v13;
	v17 =	vor.u32 $0x6, v12  }
.Ltmp8:
0xc1: {  	v12 =	vor.u32 $0x7, v12;
	[tilespmem:v15+s26+$0x0] =	vst.idx.msk vm0, v14;
	v14 =	vadd.s32 v4, v13;
	(pc) =	sbr.rel @p4 .LBB2_12-.Ltmp8, $4  }
0xc2: {  	[tilespmem:v16+s26+$0x0] =	vst.idx.msk vm0, v14;
	v14 =	vadd.s32 v5, v13  }
0xc3: {  	[tilespmem:v18+s26+$0x0] =	vst.idx.msk vm0, v14;
	v14 =	vadd.s32 v6, v13  }
0xc4: {  	s5 =	sadd.s32 $0x10, s5;
	[tilespmem:v19+s26+$0x0] =	vst.idx.msk vm0, v14;
	v14 =	vadd.s32 v7, v13  }
0xc5: {  	s9 =	sadd.s32 s5, s13;
	v13 =	vadd.s32 v8, v13;
	[tilespmem:v17+s26+$0x0] =	vst.idx.msk vm0, v14  }
.LBB2_13:
0xc6: {  	_ =	sdelay $0x3  }
0xc7: {  	s6 =	sadd.s32 @p3 $0x10, s8;
	s8 =	smov.u32 s20  }
0xc8: {  	v14 =	vmov s9;
	v15 =	vmov s5;
	[tilespmem:v12+s26+$0x0] =	vst.idx.msk @p3 vm0, v13;
	s8 =	smov.u32 @p3 s6  }
0xc9: {  	vm15 =	vlt.s32 v14, v10;
	v54 =	vshll.u32 v15, $0x3;
	v12 =	vld [tilespmem:s8+$0x0]  }
0xca: {  	v13 =	vor.u32 v11, v54  }
0xcb: {  	v55 =	vor.u32 $0x1, v13  }
0xcc: {  	v56 =	vor.u32 $0x2, v13  }
0xcd: {  	v16 =	vor.u32 $0x3, v13  }
0xce: {  	v18 =	vor.u32 $0x4, v13;
	v17 =	vadd.s32 v0, v12  }
0xcf: {  	v19 =	vor.u32 $0x5, v13;
	v57 =	vadd.s32 v1, v12;
	[tilespmem:v13+s26+$0x0] =	vst.idx.msk vm15, v17  }
0xd0: {  	v59 =	vor.u32 $0x6, v13;
	v58 =	vadd.s32 v2, v12;
	[tilespmem:v55+s26+$0x0] =	vst.idx.msk vm15, v57  }
0xd1: {  	v60 =	vadd.s32 v4, v12;
	v13 =	vor.u32 $0x7, v13;
	[tilespmem:v56+s26+$0x0] =	vst.idx.msk vm15, v58  }
0xd2: {  	v61 =	vadd.s32 v5, v12;
	[tilespmem:v16+s26+$0x0] =	vst.idx.msk vm15, v60  }
0xd3: {  	v62 =	vadd.s32 v6, v12;
	[tilespmem:v18+s26+$0x0] =	vst.idx.msk vm15, v61  }
0xd4: {  	v63 =	vadd.s32 v7, v12;
	[tilespmem:v19+s26+$0x0] =	vst.idx.msk vm15, v62  }
0xd5: {  	v12 =	vadd.s32 v8, v12;
	[tilespmem:v59+s26+$0x0] =	vst.idx.msk vm15, v63  }
0xd6: {  	[tilespmem:v13+s26+$0x0] =	vst.idx.msk vm15, v12  }
.LBB2_14:
.Ltmp9:
0xd7: {  	(pc) =	sbr.rel @p1 .LBB2_20-.Ltmp9, $1  }
0xd8: {  	_ =	sdelay $0x3  }
0xd9: {  	p4 =	sgt.s32 s10, $0x1  }
.Ltmp10:
0xda: {  	_ = 	snop;
	(pc) =	sbr.rel @!p4 .LBB2_16-.Ltmp10, $2  }
0xdb: {  	_ =	sdelay $0x2  }
0xdc: {  	s6 =	simm.s32 $0x2800;
	p3 =	por $0x0, $0x0  }
0xdd: {  	s5 =	simm.s32 $0x2780  }
0xde: {  	[tilespmem:s29], [sflag:$0x1] =	stream.indirect.gather [hbm4b:s1+s28], $0x80, s5, s28, $0xb8;
	[tilespmem:$0xB480] =	vst v63  }
0xdf: {  	_ = 	snop  }
0xe0: {  	[tilespmem:s30], [sflag:$0x2] =	stream.indirect.gather [hbm4b:s1+s28], $0x80, s6, s28, $0xb8;
	[tilespmem:$0xB480] =	vst v63  }
0xe1: {  	_ =	swait.ge [sflag:s21], $0x4000  }
0xe2: {  	[sflag:s21] =	ssyncset.done $0x0  }
0xe3: {  	s17 =	rddreg [dreg:$0xd];
	[sflag:s21] =	ssyncadd.s32 $0xFFFFC000  }
0xe4: {  	[hbm4b:s17+s4] =	stream.linear.scatter [tilespmem:s29], [sflag:$0x3], $0x4000, $0x38;
	[tilespmem:$0xB480] =	vst v63  }
0xe5: {  	_ =	swait.ge [sflag:s31], $0x4000  }
0xe6: {  	[sflag:s31] =	ssyncset.done $0x0  }
0xe7: {  	p4 =	sgt.s32 s10, $0x2;
	s24 =	rddreg [dreg:$0xc];
	[sflag:s31] =	ssyncadd.s32 $0xFFFFC000  }
0xe8: {  	[hbm4b:s24+s4] =	stream.linear.scatter [tilespmem:s30], [sflag:$0x4], $0x4000, $0x38;
	[tilespmem:$0xB480] =	vst v63  }
.Ltmp11:
0xe9: {  	_ =	swait.ge [sflag:s0], $0x4000;
	(pc) =	sbr.rel @!p4 .LBB2_19-.Ltmp11, $4  }
0xea: {  	[sflag:s0] =	ssyncset.done $0x0  }
0xeb: {  	s9 =	simm.s32 $0x2;
	[sflag:s0] =	ssyncadd.s32 $0xFFFFC000  }
0xec: {  	p3 =	por $0x1, $0x1;
	s6 =	simm.s32 $0x2900;
	_ =	swait.ge [sflag:s2], $0x4000  }
0xed: {  	s8 =	sadd.s32 $0x1000, s17;
	s5 =	sadd.s32 $0x1000, s24;
	[sflag:s2] =	ssyncset.done $0x0  }
.LBB2_18:
0xee: {  	s9 =	sadd.s32 $0x1, s9;
	s12 =	sadd.s32 $0xFFFFFF80, s6;
	[sflag:s2] =	ssyncadd.s32 $0xFFFFC000  }
0xef: {  	[tilespmem:s29], [sflag:$0x1] =	stream.indirect.gather [hbm4b:s1+s28], $0x80, s12, s28, $0xb8;
	[tilespmem:$0xB480] =	vst v63  }
0xf0: {  	p4 =	slt.s32 s9, s10  }
0xf1: {  	[tilespmem:s30], [sflag:$0x2] =	stream.indirect.gather [hbm4b:s1+s28], $0x80, s6, s28, $0xb8;
	[tilespmem:$0xB480] =	vst v63  }
0xf2: {  	_ =	swait.ge [sflag:s21], $0x4000  }
0xf3: {  	[sflag:s21] =	ssyncset.done $0x0  }
0xf4: {  	[sflag:s21] =	ssyncadd.s32 $0xFFFFC000  }
0xf5: {  	[hbm4b:s8+s4] =	stream.linear.scatter [tilespmem:s29], [sflag:$0x3], $0x4000, $0x38;
	[tilespmem:$0xB480] =	vst v63  }
0xf6: {  	_ =	swait.ge [sflag:s31], $0x4000  }
0xf7: {  	[sflag:s31] =	ssyncset.done $0x0  }
0xf8: {  	[sflag:s31] =	ssyncadd.s32 $0xFFFFC000  }
0xf9: {  	[hbm4b:s5+s4] =	stream.linear.scatter [tilespmem:s30], [sflag:$0x4], $0x4000, $0x38;
	[tilespmem:$0xB480] =	vst v63  }
.Ltmp12:
0xfa: {  	_ =	swait.ge [sflag:s0], $0x4000;
	(pc) =	sbr.rel @p4 .LBB2_18-.Ltmp12, $4  }
0xfb: {  	[sflag:s0] =	ssyncset.done $0x0  }
0xfc: {  	[sflag:s0] =	ssyncadd.s32 $0xFFFFC000  }
0xfd: {  	s8 =	sadd.s32 $0x1000, s8;
	_ =	swait.ge [sflag:s2], $0x4000  }
0xfe: {  	s6 =	sadd.s32 $0x100, s6;
	s5 =	sadd.s32 $0x1000, s5;
	[sflag:s2] =	ssyncset.done $0x0  }
.LBB2_19:
0xff: {  	s9 =	sadd.s32 $0xFFFFFF80, s6;
	[sflag:s2] =	ssyncadd.s32 @p3 $0xFFFFC000  }
0x100: {  	[tilespmem:s29], [sflag:$0x1] =	stream.indirect.gather [hbm4b:s1+s28], $0x80, s9, s28, $0xb8;
	[tilespmem:$0xB480] =	vst v63  }
0x101: {  	_ = 	snop  }
0x102: {  	[tilespmem:s30], [sflag:$0x2] =	stream.indirect.gather [hbm4b:s1+s28], $0x80, s6, s28, $0xb8;
	[tilespmem:$0xB480] =	vst v63  }
0x103: {  	_ =	swait.ge [sflag:s21], $0x4000  }
0x104: {  	[sflag:s21] =	ssyncset.done $0x0  }
0x105: {  	[sflag:s21] =	ssyncadd.s32 $0xFFFFC000  }
0x106: {  	[hbm4b:s8+s4] =	stream.linear.scatter [tilespmem:s29], [sflag:$0x3], $0x4000, $0x38;
	[tilespmem:$0xB480] =	vst v63  }
0x107: {  	_ =	swait.ge [sflag:s31], $0x4000  }
0x108: {  	[sflag:s31] =	ssyncset.done $0x0  }
0x109: {  	[sflag:s31] =	ssyncadd.s32 $0xFFFFC000  }
0x10a: {  	[hbm4b:s5+s4] =	stream.linear.scatter [tilespmem:s30], [sflag:$0x4], $0x4000, $0x38;
	[tilespmem:$0xB480] =	vst v63  }
0x10b: {  	_ =	swait.ge [sflag:s0], $0x4000  }
0x10c: {  	[sflag:s0] =	ssyncset.done $0x0  }
0x10d: {  	[sflag:s0] =	ssyncadd.s32 $0xFFFFC000  }
0x10e: {  	_ =	swait.ge [sflag:s2], $0x4000  }
0x10f: {  	[sflag:s2] =	ssyncset.done $0x0  }
0x110: {  	[sflag:s2] =	ssyncadd.s32 $0xFFFFC000  }
.LBB2_20:
0x111: {  	s5 =	simm.s32 @!p2 $0x30;
	s24 =	simm.s32 @!p2 $0x3480;
	s6 =	simm.s32 @!p2 $0x1  }
0x112: {  	[tilespmem:s24], [sflag:$0x1] =	stream.indirect.gather @!p2 [hbm4b:s1+s5], $0x80, s18, s5, $0xb8;
	[tilespmem:$0xB480] =	vst v63  }
0x113: {  	_ =	swait.ge @!p2 [sflag:s6], $0x1800  }
0x114: {  	[sflag:s6] =	ssyncset.done @!p2 $0x0  }
0x115: {  	s9 =	simm.s32 @!p2 $0x0;
	s8 =	rddreg [dreg:$0xa];
	[sflag:s6] =	ssyncadd.s32 @!p2 $0xFFFFE800  }
0x116: {  	[hbm4b:s8+s9] =	stream.linear.scatter @!p2 [tilespmem:s24], [sflag:$0x5], $0x1800, $0x38;
	[tilespmem:$0xB480] =	vst v63  }
.Ltmp13:
0x117: {  	_ = 	snop;
	(pc) =	sbr.rel @p1 .LBB2_26-.Ltmp13, $4  }
0x118: {  	s8 =	simm.s32 @!p2 $0x5  }
0x119: {  	_ =	swait.ge @!p2 [sflag:s8], $0x1800  }
0x11a: {  	[sflag:s8] =	ssyncset.done @!p2 $0x0  }
0x11b: {  	[sflag:s8] =	ssyncadd.s32 @!p2 $0xFFFFE800  }
0x11c: {  	p4 =	sgt.s32 s10, $0x1  }
.Ltmp14:
0x11d: {  	_ = 	snop;
	(pc) =	sbr.rel @!p4 .LBB2_22-.Ltmp14, $2  }
0x11e: {  	_ =	sdelay $0x2  }
0x11f: {  	s12 =	simm.s32 $0x2800;
	p3 =	por $0x0, $0x0  }
0x120: {  	s14 =	simm.s32 $0x2780  }
0x121: {  	[tilespmem:s29], [sflag:$0x1] =	stream.indirect.gather [hbm4b:s3+s28], $0x80, s14, s28, $0xb8;
	[tilespmem:$0xB480] =	vst v63  }
0x122: {  	_ = 	snop  }
0x123: {  	[tilespmem:s30], [sflag:$0x2] =	stream.indirect.gather [hbm4b:s3+s28], $0x80, s12, s28, $0xb8;
	[tilespmem:$0xB480] =	vst v63  }
0x124: {  	_ =	swait.ge [sflag:s21], $0x4000  }
0x125: {  	[sflag:s21] =	ssyncset.done $0x0  }
0x126: {  	[sflag:s21] =	ssyncadd.s32 $0xFFFFC000  }
0x127: {  	[hbm4b:s19+s4] =	stream.linear.scatter [tilespmem:s29], [sflag:$0x3], $0x4000, $0x38;
	[tilespmem:$0xB480] =	vst v63  }
0x128: {  	_ =	swait.ge [sflag:s31], $0x4000  }
0x129: {  	[sflag:s31] =	ssyncset.done $0x0  }
0x12a: {  	p4 =	sgt.s32 s10, $0x2;
	[sflag:s31] =	ssyncadd.s32 $0xFFFFC000  }
0x12b: {  	[hbm4b:s11+s4] =	stream.linear.scatter [tilespmem:s30], [sflag:$0x4], $0x4000, $0x38;
	[tilespmem:$0xB480] =	vst v63  }
.Ltmp15:
0x12c: {  	_ =	swait.ge [sflag:s0], $0x4000;
	(pc) =	sbr.rel @!p4 .LBB2_25-.Ltmp15, $4  }
0x12d: {  	[sflag:s0] =	ssyncset.done $0x0  }
0x12e: {  	s17 =	sadd.s32 $0x1000, s19;
	[sflag:s0] =	ssyncadd.s32 $0xFFFFC000  }
0x12f: {  	s16 =	sadd.s32 $0x1000, s11;
	p3 =	por $0x1, $0x1;
	_ =	swait.ge [sflag:s2], $0x4000  }
0x130: {  	s14 =	simm.s32 $0x2;
	s12 =	simm.s32 $0x2900;
	[sflag:s2] =	ssyncset.done $0x0  }
.LBB2_24:
0x131: {  	s14 =	sadd.s32 $0x1, s14;
	s15 =	sadd.s32 $0xFFFFFF80, s12;
	[sflag:s2] =	ssyncadd.s32 $0xFFFFC000  }
0x132: {  	[tilespmem:s29], [sflag:$0x1] =	stream.indirect.gather [hbm4b:s3+s28], $0x80, s15, s28, $0xb8;
	[tilespmem:$0xB480] =	vst v63  }
0x133: {  	p4 =	slt.s32 s14, s10  }
0x134: {  	[tilespmem:s30], [sflag:$0x2] =	stream.indirect.gather [hbm4b:s3+s28], $0x80, s12, s28, $0xb8;
	[tilespmem:$0xB480] =	vst v63  }
0x135: {  	_ =	swait.ge [sflag:s21], $0x4000  }
0x136: {  	[sflag:s21] =	ssyncset.done $0x0  }
0x137: {  	[sflag:s21] =	ssyncadd.s32 $0xFFFFC000  }
0x138: {  	[hbm4b:s17+s4] =	stream.linear.scatter [tilespmem:s29], [sflag:$0x3], $0x4000, $0x38;
	[tilespmem:$0xB480] =	vst v63  }
0x139: {  	_ =	swait.ge [sflag:s31], $0x4000  }
0x13a: {  	[sflag:s31] =	ssyncset.done $0x0  }
0x13b: {  	[sflag:s31] =	ssyncadd.s32 $0xFFFFC000  }
0x13c: {  	[hbm4b:s16+s4] =	stream.linear.scatter [tilespmem:s30], [sflag:$0x4], $0x4000, $0x38;
	[tilespmem:$0xB480] =	vst v63  }
.Ltmp16:
0x13d: {  	_ =	swait.ge [sflag:s0], $0x4000;
	(pc) =	sbr.rel @p4 .LBB2_24-.Ltmp16, $4  }
0x13e: {  	[sflag:s0] =	ssyncset.done $0x0  }
0x13f: {  	[sflag:s0] =	ssyncadd.s32 $0xFFFFC000  }
0x140: {  	s17 =	sadd.s32 $0x1000, s17;
	_ =	swait.ge [sflag:s2], $0x4000  }
0x141: {  	s12 =	sadd.s32 $0x100, s12;
	s16 =	sadd.s32 $0x1000, s16;
	[sflag:s2] =	ssyncset.done $0x0  }
.Ltmp17:
0x142: {  	_ = 	snop;
	(pc) =	sbr.rel .LBB2_25-.Ltmp17, $1  }
0x143: {  	_ =	sdelay $0x3  }
.LBB2_16:
.Ltmp18:
0x144: {  	(pc) =	sbr.rel .LBB2_19-.Ltmp18, $3  }
0x145: {  	_ =	sdelay $0x1  }
0x146: {  	s8 =	rddreg [dreg:$0xd]  }
0x147: {  	s5 =	rddreg [dreg:$0xc]  }
.LBB2_9:
.Ltmp19:
0x148: {  	(pc) =	sbr.rel .LBB2_13-.Ltmp19, $2  }
0x149: {  	_ =	sdelay $0x2  }
0x14a: {  	s8 =	smov.u32 s20  }
.LBB2_11:
.Ltmp20:
0x14b: {  	(pc) =	sbr.rel .LBB2_13-.Ltmp20, $2  }
0x14c: {  	_ =	sdelay $0x2  }
0x14d: {  	s8 =	smov.u32 s20  }
.LBB2_27:
0x14e: {  	_ =	sfence.sel $0x180000  }
0x14f: {  	[bflag:$0x0] =	sbarrier.arrive $0xFFFF  }
0x150: {  	_ =	strace $0x90000047  }
0x151: {  	s0 =	stileid.u32;
	[bflag:$0x2] =	sbarrier.arrive $0xFFFF  }
0x152: {  	p0 =	sne.s32 s0, $0x0;
	s0 =	rddreg [dreg:$0x5]  }
0x153: {  	s0 =	sadd.s32 @!p0 $0x100000, s0  }
0x154: {  	[sflag:s0] =	ssyncadd.tile.s32 @!p0 $0x1;
	_ =	shalt  }
.Lfunc_end2:
_tile_overlayer_lowered:
.L_overlay_start_2:
0x155: {  	(tag) =	ssettag $0x2  }
0x156: {  	s0 =	rddreg [dreg:$0x0];
	s2 =	stileid.u32  }
0x157: {  	s1 =	rddreg [dreg:$0x1];
	p0 =	sne.s32 s2, $0x0  }
0x158: {  	s3 =	rddreg [dreg:$0x2];
	[bflag:$0x3] =	sbarrier.arrive $0xFFFF;
	s2 =	simm.s32 @!p0 $0x1C05  }
0x159: {  	[timem:s3], [sflag:s2] =	dma.local @!p0 [hbm:s0], s1  }
0x15a: {  	s0 =	simm.s32 @!p0 $0x5  }
0x15b: {  	_ =	swait.ge @!p0 [sflag:s0], s1  }
0x15c: {  	s1 =	ssub.s32 @!p0 $0x0, s1;
	[sflag:s0] =	ssyncset.done @!p0 $0x0  }
0x15d: {  	[sflag:s0] =	ssyncadd.s32 @!p0 s1  }
0x15e: {  	[bflag:$0x3] =	sbarrier.arrive $0xFFFF  }
0x15f: {  	_ =	shalt  }

</sc_bundles>
